<compile_context>
chip_gen: v7x
topology: tpu7x:2x2x1
jax: 0.10.2.dev20260603
libtpu: 0.0.44.dev20260713+nightly
codegen_flags: <defaults>
</compile_context>

<pallas_src>
import functools

import jax
import jax.numpy as jnp
from jax import lax
from jax.experimental import pallas as pl
from jax.experimental.pallas import tpu as pltpu
from jax.experimental.pallas import tpu_sc as plsc

NC = 2
NS = 16
NW = NC * NS
CH = 80
NBUF = 4



def _sc_count_body(n_pad, k_chunks, rpt,
                   edges_hbm, ones_hbm, zeros_hbm, cnt_hbm,
                   idx_v, ones_v, shared_cnt):
    c = lax.axis_index("c")
    s = lax.axis_index("s")
    w = c * NS + s
    pltpu.sync_copy(edges_hbm.at[w], idx_v)
    pltpu.sync_copy(ones_hbm, ones_v)
    sl = pl.ds(s * rpt, rpt)
    pltpu.sync_copy(zeros_hbm.at[sl], shared_cnt.at[sl])
    plsc.subcore_barrier()

    def chunk(k, carry):
        pltpu.sync_copy(ones_v, shared_cnt.at[idx_v.at[k, 1]], add=True)
        return carry

    lax.fori_loop(0, k_chunks, chunk, 0)
    plsc.subcore_barrier()
    pltpu.sync_copy(shared_cnt.at[sl], cnt_hbm.at[c].at[sl])


def _sc_agg_body(n_pad, k_chunks, rpt,
                 edges_hbm, y_hbm, zeros_hbm, agg_hbm,
                 ib, rows_v, shared_acc, isem, gsem, ssem):
    c = lax.axis_index("c")
    s = lax.axis_index("s")
    w = c * NS + s
    sl = pl.ds(s * rpt, rpt)
    pltpu.sync_copy(zeros_hbm.at[sl], shared_acc.at[sl])
    plsc.subcore_barrier()

    for j in range(min(NBUF - 1, k_chunks)):
        pltpu.async_copy(edges_hbm.at[w, j], ib.at[j], isem)
    for j in range(min(NBUF - 2, k_chunks)):
        pltpu.make_async_copy(edges_hbm.at[w, j], ib.at[j], isem).wait()
        pltpu.async_copy(y_hbm.at[ib.at[j, 0]], rows_v.at[j], gsem)

    def chunk(k, carry):
        kb = lax.rem(k, NBUF)
        pb = lax.rem(k - 1 + NBUF, NBUF)

        pltpu.make_async_copy(
            y_hbm.at[ib.at[kb, 0]], rows_v.at[kb], gsem).wait()

        @pl.when(k >= 1)
        def _():
            pltpu.make_async_copy(
                rows_v.at[pb], shared_acc.at[ib.at[pb, 1]], ssem).wait()

        @pl.when(k + NBUF - 1 < k_chunks)
        def _():
            pltpu.async_copy(edges_hbm.at[w, k + NBUF - 1], ib.at[pb], isem)

        pltpu.async_copy(
            rows_v.at[kb], shared_acc.at[ib.at[kb, 1]], ssem, add=True)

        @pl.when(k + NBUF - 2 < k_chunks)
        def _():
            fb = lax.rem(k + NBUF - 2, NBUF)
            pltpu.make_async_copy(
                edges_hbm.at[w, k + NBUF - 2], ib.at[fb], isem).wait()
            pltpu.async_copy(y_hbm.at[ib.at[fb, 0]], rows_v.at[fb], gsem)

        return carry

    lax.fori_loop(0, k_chunks, chunk, 0)
    lb = (k_chunks - 1) % NBUF
    pltpu.make_async_copy(
        rows_v.at[lb], shared_acc.at[ib.at[lb, 1]], ssem).wait()
    plsc.subcore_barrier()
    pltpu.sync_copy(shared_acc.at[sl], agg_hbm.at[c].at[sl])



def _tc_scale_body(n, x_ref, w_ref, c_ref, y_ref):
    deg = c_ref[0] + c_ref[1] + 1.0
    dis = lax.rsqrt(deg)
    xw = jnp.dot(x_ref[...], w_ref[...], preferred_element_type=jnp.float32)
    y_ref[...] = xw * dis[:n]


def _tc_final_body(n, agg_ref, y_ref, c_ref, bg_ref, wl_ref, bl_ref,
                   h_ref, o_ref):
    deg = c_ref[0] + c_ref[1] + 1.0
    dis = lax.rsqrt(deg)[:n]
    a = agg_ref[0, :n, :] + agg_ref[1, :n, :] + y_ref[...]
    h = jnp.maximum(a * dis + bg_ref[...], 0.0)
    h_ref[...] = h
    o_ref[...] = (
        jnp.dot(h, wl_ref[...], preferred_element_type=jnp.float32)
        + bl_ref[...]
    )



def kernel(x, edge_index, W_gcn, b_gcn, W_lin, b_lin):
    n, d = x.shape
    e = edge_index.shape[1]
    d_hid = W_gcn.shape[1]
    n_cls = W_lin.shape[1]

    n_pad = ((n + 1 + NS * 128 - 1) // (NS * 128)) * (NS * 128)
    rpt = n_pad // NS
    k_chunks = -(-e // (NW * CH))
    e_pad = NW * k_chunks * CH

    src = edge_index[0].astype(jnp.int32)
    dst = edge_index[1].astype(jnp.int32)
    pad = e_pad - e
    src_t = jnp.concatenate([src, jnp.zeros((pad,), jnp.int32)])
    dst_t = jnp.concatenate(
        [dst, n + jnp.arange(pad, dtype=jnp.int32) % (n_pad - n)])
    edges_t = jnp.stack(
        [src_t.reshape(NW, k_chunks, CH), dst_t.reshape(NW, k_chunks, CH)],
        axis=2)

    ones_row = jnp.ones((CH,), jnp.float32)
    zeros_1d = jnp.zeros((n_pad,), jnp.float32)
    zeros_2d = jnp.zeros((n_pad, d_hid), jnp.float32)

    mesh = plsc.VectorSubcoreMesh(
        core_axis_name="c", subcore_axis_name="s",
        num_cores=NC, num_subcores=NS,
    )

    counts = pl.kernel(
        functools.partial(_sc_count_body, n_pad, k_chunks, rpt),
        out_type=jax.ShapeDtypeStruct((NC, n_pad), jnp.float32),
        mesh=mesh,
        scratch_types=[
            pltpu.VMEM((k_chunks, 2, CH), jnp.int32),
            pltpu.VMEM((CH,), jnp.float32),
            pltpu.VMEM_SHARED((n_pad,), jnp.float32),
        ],
    )(edges_t, ones_row, zeros_1d)

    c2 = counts.reshape(NC, n_pad, 1)

    y = pl.pallas_call(
        functools.partial(_tc_scale_body, n),
        out_shape=jax.ShapeDtypeStruct((n, d_hid), jnp.float32),
    )(x, W_gcn, c2)

    agg = pl.kernel(
        functools.partial(_sc_agg_body, n_pad, k_chunks, rpt),
        out_type=jax.ShapeDtypeStruct((NC, n_pad, d_hid), jnp.float32),
        mesh=mesh,
        scratch_types=[
            pltpu.VMEM((NBUF, 2, CH), jnp.int32),
            pltpu.VMEM((NBUF, CH, d_hid), jnp.float32),
            pltpu.VMEM_SHARED((n_pad, d_hid), jnp.float32),
            pltpu.SemaphoreType.DMA,
            pltpu.SemaphoreType.DMA,
            pltpu.SemaphoreType.DMA,
        ],
    )(edges_t, y, zeros_2d)

    n_cls_pad = ((n_cls + 127) // 128) * 128
    wl_pad = jnp.zeros((d_hid, n_cls_pad), jnp.float32).at[:, :n_cls].set(W_lin)
    bl_pad = jnp.zeros((1, n_cls_pad), jnp.float32).at[0, :n_cls].set(b_lin)

    h, out_pad = pl.pallas_call(
        functools.partial(_tc_final_body, n),
        out_shape=(
            jax.ShapeDtypeStruct((n, d_hid), jnp.float32),
            jax.ShapeDtypeStruct((n, n_cls_pad), jnp.float32),
        ),
    )(agg, y, c2, b_gcn.reshape(1, d_hid), wl_pad, bl_pad)

    return (h, out_pad[:, :n_cls])

# --- scband reference (transcript-rebuilt; emitter-appended) ---
"""Pipeline reference for scband-my-gcn-75385265979976 (READ-ONLY COPY).

The authoritative reference and input builder live on the scoring server;
editing this copy changes nothing except your own understanding.
"""

import jax, jax.numpy as jnp
import numpy as np

N_NODES = 10000
N_EDGES = 320000
D_FEAT = 128
D_HID = 128
N_CLASSES = 40


def setup_inputs(seed: int = 0) -> dict:
    key = jax.random.key(seed)
    k1, k2, k3, k4, k5, k6 = jax.random.split(key, 6)
    x = jax.random.normal(k1, (N_NODES, D_FEAT), dtype=jnp.float32)
    edge_index = jax.random.randint(k2, (2, N_EDGES), 0, N_NODES, dtype=jnp.int64)
    # GCNConv weight (glorot) and bias
    W_gcn = jax.random.normal(k3, (D_FEAT, D_HID), dtype=jnp.float32) * (2.0 / (D_FEAT + D_HID)) ** 0.5
    b_gcn = jnp.zeros((D_HID,), dtype=jnp.float32)
    # Linear layer weight and bias
    W_lin = jax.random.normal(k4, (D_HID, N_CLASSES), dtype=jnp.float32) * (1.0 / D_HID) ** 0.5
    b_lin = jax.random.normal(k5, (N_CLASSES,), dtype=jnp.float32) * 0.01
    return {"x": x, "edge_index": edge_index, "W_gcn": W_gcn, "b_gcn": b_gcn, "W_lin": W_lin, "b_lin": b_lin}


def _gcn_conv(x, edge_index, W, b):
    n = x.shape[0]
    # add self-loops (PyG GCNConv default add_self_loops=True)
    loop = jnp.arange(n, dtype=edge_index.dtype)
    src = jnp.concatenate([edge_index[0], loop])
    dst = jnp.concatenate([edge_index[1], loop])
    # symmetric normalization: deg computed on destination (col) with unit edge weights
    ones = jnp.ones(src.shape[0], dtype=x.dtype)
    deg = jnp.zeros((n,), dtype=x.dtype).at[dst].add(ones)
    deg_inv_sqrt = jnp.where(deg > 0, deg ** -0.5, 0.0)
    norm = deg_inv_sqrt[src] * deg_inv_sqrt[dst]
    # linear transform then propagate (gather from src, scatter-add to dst)
    xw = x @ W
    msg = xw[src] * norm[:, None]
    out = jax.ops.segment_sum(msg, dst, num_segments=n)
    return out + b


def reference(x, edge_index, W_gcn, b_gcn, W_lin, b_lin):
    h = jax.nn.relu(_gcn_conv(x, edge_index, W_gcn, b_gcn))
    out = h @ W_lin + b_lin
    return (h, out)

if __name__ == "__main__":
    import jax
    _d = setup_inputs()
    print(jax.jit(kernel)(*tuple(_d.values())))

</pallas_src>

<mosaic_0001>
#map = affine_map<(d0, d1) -> (0, 0, 0, 0)>
#map1 = affine_map<(d0, d1) -> (0)>
#map2 = affine_map<(d0, d1) -> (0, 0)>
module attributes {stable_mosaic.version = 14 : i64} {
  func.func @_sc_count_body(%arg0: i32, %arg1: i32, %arg2: memref<32x125x2x80xi32, #tpu.memory_space<hbm>>, %arg3: memref<80xf32, #tpu.memory_space<hbm>>, %arg4: memref<10240xf32, #tpu.memory_space<hbm>>, %arg5: memref<2x10240xf32, #tpu.memory_space<hbm>>, %arg6: memref<125x2x80xi32, #tpu.memory_space<vmem>>, %arg7: memref<80xf32, #tpu.memory_space<vmem>>, %arg8: memref<10240xf32, #tpu.memory_space<vmem_shared>>) attributes {dimension_semantics = [#tpu.dimension_semantics<core_parallel>, #tpu.dimension_semantics<subcore_parallel>], iteration_bounds = array<i64: 2, 16>, scalar_prefetch = 0 : i64, scratch_operands = 3 : i64, tpu.core_type = #tpu.core_type<sc_vector_subcore>, window_params = [{transform_indices = #map}, {transform_indices = #map1}, {transform_indices = #map1}, {transform_indices = #map2}]} {
    %mul3A = arith.constant 16 : i32
    %mul3A_0 = arith.muli %arg0, %mul3A : i32
    %add3A = arith.addi %mul3A_0, %arg1 : i32
    "tpu.region"() ({
      %run_scoped3A = tpu.sem_alloc : memref<!tpu.dma_semaphore, #tpu.memory_space<semaphore_mem>>
      %dma_start3A = arith.constant 0 : i32
      %dma_start3A_9 = arith.constant 0 : i32
      %dma_start3A_10 = arith.constant 0 : i32
      %dma_start3A_11 = tpu.memref_slice %arg2[%add3A, %dma_start3A, %dma_start3A_9, %dma_start3A_10] : memref<32x125x2x80xi32, #tpu.memory_space<hbm>> -> memref<1x125x2x80xi32, #tpu.memory_space<hbm>>
      %dma_start3A_12 = tpu.memref_squeeze %dma_start3A_11 : memref<1x125x2x80xi32, #tpu.memory_space<hbm>> -> memref<125x2x80xi32, #tpu.memory_space<hbm>>
      %dma_start3A_13 = arith.constant 0 : i32
      %dma_start3A_14 = arith.constant 0 : i32
      %dma_start3A_15 = arith.constant 0 : i32
      %dma_start3A_16 = tpu.memref_slice %arg2[%add3A, %dma_start3A_13, %dma_start3A_14, %dma_start3A_15] : memref<32x125x2x80xi32, #tpu.memory_space<hbm>> -> memref<1x125x2x80xi32, #tpu.memory_space<hbm>>
      %dma_start3A_17 = tpu.memref_squeeze %dma_start3A_16 : memref<1x125x2x80xi32, #tpu.memory_space<hbm>> -> memref<125x2x80xi32, #tpu.memory_space<hbm>>
      tpu.enqueue_dma source(%dma_start3A_17 : memref<125x2x80xi32, #tpu.memory_space<hbm>>) target(%arg6 : memref<125x2x80xi32, #tpu.memory_space<vmem>>) target_semaphore(%run_scoped3A : memref<!tpu.dma_semaphore, #tpu.memory_space<semaphore_mem>>)
      %dma_wait3A = arith.constant 0 : i32
      %dma_wait3A_18 = arith.constant 0 : i32
      %dma_wait3A_19 = arith.constant 0 : i32
      %dma_wait3A_20 = tpu.memref_slice %arg2[%add3A, %dma_wait3A, %dma_wait3A_18, %dma_wait3A_19] : memref<32x125x2x80xi32, #tpu.memory_space<hbm>> -> memref<1x125x2x80xi32, #tpu.memory_space<hbm>>
      %dma_wait3A_21 = tpu.memref_squeeze %dma_wait3A_20 : memref<1x125x2x80xi32, #tpu.memory_space<hbm>> -> memref<125x2x80xi32, #tpu.memory_space<hbm>>
      %dma_wait3A_22 = arith.constant 0 : i32
      %dma_wait3A_23 = arith.constant 0 : i32
      %dma_wait3A_24 = arith.constant 0 : i32
      %dma_wait3A_25 = tpu.memref_slice %arg2[%add3A, %dma_wait3A_22, %dma_wait3A_23, %dma_wait3A_24] : memref<32x125x2x80xi32, #tpu.memory_space<hbm>> -> memref<1x125x2x80xi32, #tpu.memory_space<hbm>>
      %dma_wait3A_26 = tpu.memref_squeeze %dma_wait3A_25 : memref<1x125x2x80xi32, #tpu.memory_space<hbm>> -> memref<125x2x80xi32, #tpu.memory_space<hbm>>
      tpu.wait_dma2 semaphore(%run_scoped3A : memref<!tpu.dma_semaphore, #tpu.memory_space<semaphore_mem>>) src(%dma_wait3A_26 : memref<125x2x80xi32, #tpu.memory_space<hbm>>) dst(%arg6 : memref<125x2x80xi32, #tpu.memory_space<vmem>>)
      tpu.yield
    }) : () -> ()
    "tpu.region"() ({
      %run_scoped3A = tpu.sem_alloc : memref<!tpu.dma_semaphore, #tpu.memory_space<semaphore_mem>>
      tpu.enqueue_dma source(%arg3 : memref<80xf32, #tpu.memory_space<hbm>>) target(%arg7 : memref<80xf32, #tpu.memory_space<vmem>>) target_semaphore(%run_scoped3A : memref<!tpu.dma_semaphore, #tpu.memory_space<semaphore_mem>>)
      tpu.wait_dma2 semaphore(%run_scoped3A : memref<!tpu.dma_semaphore, #tpu.memory_space<semaphore_mem>>) src(%arg3 : memref<80xf32, #tpu.memory_space<hbm>>) dst(%arg7 : memref<80xf32, #tpu.memory_space<vmem>>)
      tpu.yield
    }) : () -> ()
    %mul3A_1 = arith.constant 640 : i32
    %mul3A_2 = arith.muli %arg1, %mul3A_1 : i32
    "tpu.region"() ({
      %run_scoped3A = tpu.sem_alloc : memref<!tpu.dma_semaphore, #tpu.memory_space<semaphore_mem>>
      %dma_start3A = tpu.memref_slice %arg8[%mul3A_2] : memref<10240xf32, #tpu.memory_space<vmem_shared>> -> memref<640xf32, #tpu.memory_space<vmem_shared>>
      %dma_start3A_9 = tpu.memref_slice %arg4[%mul3A_2] : memref<10240xf32, #tpu.memory_space<hbm>> -> memref<640xf32, #tpu.memory_space<hbm>>
      tpu.enqueue_dma source(%dma_start3A_9 : memref<640xf32, #tpu.memory_space<hbm>>) target(%dma_start3A : memref<640xf32, #tpu.memory_space<vmem_shared>>) target_semaphore(%run_scoped3A : memref<!tpu.dma_semaphore, #tpu.memory_space<semaphore_mem>>)
      %dma_wait3A = tpu.memref_slice %arg8[%mul3A_2] : memref<10240xf32, #tpu.memory_space<vmem_shared>> -> memref<640xf32, #tpu.memory_space<vmem_shared>>
      %dma_wait3A_10 = tpu.memref_slice %arg4[%mul3A_2] : memref<10240xf32, #tpu.memory_space<hbm>> -> memref<640xf32, #tpu.memory_space<hbm>>
      tpu.wait_dma2 semaphore(%run_scoped3A : memref<!tpu.dma_semaphore, #tpu.memory_space<semaphore_mem>>) src(%dma_wait3A_10 : memref<640xf32, #tpu.memory_space<hbm>>) dst(%dma_wait3A : memref<640xf32, #tpu.memory_space<vmem_shared>>)
      tpu.yield
    }) : () -> ()
    %barrier3A = arith.constant 0 : index
    tpu.barrier barrier_id(%barrier3A)
    %scan3A = arith.constant 0 : i32
    %scan3A_3 = arith.constant 0 : i32
    %scan3A_4 = arith.constant 125 : i32
    %scan3A_5 = arith.addi %scan3A_3, %scan3A_4 : i32
    %scan3A_6 = arith.constant 1 : i32
    scf.for %scan3A_9 = %scan3A_3 to %scan3A_5 step %scan3A_6  : i32 {
      %run_scoped3A = arith.constant 1 : i32
      "tpu.region"() ({
        %run_scoped3A_10 = tpu.sem_alloc : memref<!tpu.dma_semaphore, #tpu.memory_space<semaphore_mem>>
        %dma_start3A = arith.constant 0 : i32
        %dma_start3A_11 = tpu.memref_slice %arg6[%scan3A_9, %run_scoped3A, %dma_start3A] : memref<125x2x80xi32, #tpu.memory_space<vmem>> -> memref<1x1x80xi32, #tpu.memory_space<vmem>>
        %dma_start3A_12 = tpu.memref_squeeze %dma_start3A_11 : memref<1x1x80xi32, #tpu.memory_space<vmem>> -> memref<80xi32, #tpu.memory_space<vmem>>
        %dma_start3A_13 = arith.constant 0 : i32
        %dma_start3A_14 = tpu.memref_slice %arg8[%dma_start3A_13] : memref<10240xf32, #tpu.memory_space<vmem_shared>> -> memref<10240xf32, #tpu.memory_space<vmem_shared>>
        tpu.enqueue_indirect_dma source(%arg7 : memref<80xf32, #tpu.memory_space<vmem>>) target(%dma_start3A_14 : memref<10240xf32, #tpu.memory_space<vmem_shared>>) offsets(%dma_start3A_12 : memref<80xi32, #tpu.memory_space<vmem>>) semaphore(%run_scoped3A_10 : memref<!tpu.dma_semaphore, #tpu.memory_space<semaphore_mem>>) {add = true}
        %dma_wait3A = arith.constant 0 : i32
        %dma_wait3A_15 = tpu.memref_slice %arg6[%scan3A_9, %run_scoped3A, %dma_wait3A] : memref<125x2x80xi32, #tpu.memory_space<vmem>> -> memref<1x1x80xi32, #tpu.memory_space<vmem>>
        %dma_wait3A_16 = tpu.memref_squeeze %dma_wait3A_15 : memref<1x1x80xi32, #tpu.memory_space<vmem>> -> memref<80xi32, #tpu.memory_space<vmem>>
        %dma_wait3A_17 = arith.constant 0 : i32
        %dma_wait3A_18 = tpu.memref_slice %arg8[%dma_wait3A_17] : memref<10240xf32, #tpu.memory_space<vmem_shared>> -> memref<10240xf32, #tpu.memory_space<vmem_shared>>
        tpu.wait_indirect_dma semaphore(%run_scoped3A_10 : memref<!tpu.dma_semaphore, #tpu.memory_space<semaphore_mem>>) src(%arg7 : memref<80xf32, #tpu.memory_space<vmem>>) dst(%dma_wait3A_18 : memref<10240xf32, #tpu.memory_space<vmem_shared>>)
        tpu.yield
      }) : () -> ()
    }
    %scan3A_7 = arith.constant 125 : i32
    %barrier3A_8 = arith.constant 0 : index
    tpu.barrier barrier_id(%barrier3A_8)
    "tpu.region"() ({
      %run_scoped3A = tpu.sem_alloc : memref<!tpu.dma_semaphore, #tpu.memory_space<semaphore_mem>>
      %dma_start3A = arith.constant 0 : i32
      %dma_start3A_9 = tpu.memref_slice %arg5[%arg0, %dma_start3A] : memref<2x10240xf32, #tpu.memory_space<hbm>> -> memref<1x10240xf32, #tpu.memory_space<hbm>>
      %dma_start3A_10 = tpu.memref_squeeze %dma_start3A_9 : memref<1x10240xf32, #tpu.memory_space<hbm>> -> memref<10240xf32, #tpu.memory_space<hbm>>
      %dma_start3A_11 = tpu.memref_slice %dma_start3A_10[%mul3A_2] : memref<10240xf32, #tpu.memory_space<hbm>> -> memref<640xf32, #tpu.memory_space<hbm>>
      %dma_start3A_12 = tpu.memref_slice %arg8[%mul3A_2] : memref<10240xf32, #tpu.memory_space<vmem_shared>> -> memref<640xf32, #tpu.memory_space<vmem_shared>>
      tpu.enqueue_dma source(%dma_start3A_12 : memref<640xf32, #tpu.memory_space<vmem_shared>>) target(%dma_start3A_11 : memref<640xf32, #tpu.memory_space<hbm>>) target_semaphore(%run_scoped3A : memref<!tpu.dma_semaphore, #tpu.memory_space<semaphore_mem>>)
      %dma_wait3A = arith.constant 0 : i32
      %dma_wait3A_13 = tpu.memref_slice %arg5[%arg0, %dma_wait3A] : memref<2x10240xf32, #tpu.memory_space<hbm>> -> memref<1x10240xf32, #tpu.memory_space<hbm>>
      %dma_wait3A_14 = tpu.memref_squeeze %dma_wait3A_13 : memref<1x10240xf32, #tpu.memory_space<hbm>> -> memref<10240xf32, #tpu.memory_space<hbm>>
      %dma_wait3A_15 = tpu.memref_slice %dma_wait3A_14[%mul3A_2] : memref<10240xf32, #tpu.memory_space<hbm>> -> memref<640xf32, #tpu.memory_space<hbm>>
      %dma_wait3A_16 = tpu.memref_slice %arg8[%mul3A_2] : memref<10240xf32, #tpu.memory_space<vmem_shared>> -> memref<640xf32, #tpu.memory_space<vmem_shared>>
      tpu.wait_dma2 semaphore(%run_scoped3A : memref<!tpu.dma_semaphore, #tpu.memory_space<semaphore_mem>>) src(%dma_wait3A_16 : memref<640xf32, #tpu.memory_space<vmem_shared>>) dst(%dma_wait3A_15 : memref<640xf32, #tpu.memory_space<hbm>>)
      tpu.yield
    }) : () -> ()
    return
  }
}

#map = affine_map<(d0, d1) -> (0, 0, 0, 0)>
#map1 = affine_map<(d0, d1) -> (0, 0)>
#map2 = affine_map<(d0, d1) -> (0, 0, 0)>
module attributes {stable_mosaic.version = 14 : i64} {
  func.func @_sc_agg_body(%arg0: i32, %arg1: i32, %arg2: memref<32x125x2x80xi32, #tpu.memory_space<hbm>>, %arg3: memref<10000x128xf32, #tpu.memory_space<hbm>>, %arg4: memref<10240x128xf32, #tpu.memory_space<hbm>>, %arg5: memref<2x10240x128xf32, #tpu.memory_space<hbm>>, %arg6: memref<4x2x80xi32, #tpu.memory_space<vmem>>, %arg7: memref<4x80x128xf32, #tpu.memory_space<vmem>>, %arg8: memref<10240x128xf32, #tpu.memory_space<vmem_shared>>, %arg9: memref<!tpu.dma_semaphore, #tpu.memory_space<semaphore_mem>>, %arg10: memref<!tpu.dma_semaphore, #tpu.memory_space<semaphore_mem>>, %arg11: memref<!tpu.dma_semaphore, #tpu.memory_space<semaphore_mem>>) attributes {dimension_semantics = [#tpu.dimension_semantics<core_parallel>, #tpu.dimension_semantics<subcore_parallel>], iteration_bounds = array<i64: 2, 16>, scalar_prefetch = 0 : i64, scratch_operands = 6 : i64, tpu.core_type = #tpu.core_type<sc_vector_subcore>, window_params = [{transform_indices = #map}, {transform_indices = #map1}, {transform_indices = #map1}, {transform_indices = #map2}]} {
    %mul3A = arith.constant 16 : i32
    %mul3A_0 = arith.muli %arg0, %mul3A : i32
    %add3A = arith.addi %mul3A_0, %arg1 : i32
    %mul3A_1 = arith.constant 640 : i32
    %mul3A_2 = arith.muli %arg1, %mul3A_1 : i32
    "tpu.region"() ({
      %run_scoped3A = tpu.sem_alloc : memref<!tpu.dma_semaphore, #tpu.memory_space<semaphore_mem>>
      %dma_start3A_136 = arith.constant 0 : i32
      %dma_start3A_137 = tpu.memref_slice %arg8[%mul3A_2, %dma_start3A_136] : memref<10240x128xf32, #tpu.memory_space<vmem_shared>> -> memref<640x128xf32, #tpu.memory_space<vmem_shared>>
      %dma_start3A_138 = arith.constant 0 : i32
      %dma_start3A_139 = tpu.memref_slice %arg4[%mul3A_2, %dma_start3A_138] : memref<10240x128xf32, #tpu.memory_space<hbm>> -> memref<640x128xf32, #tpu.memory_space<hbm>>
      tpu.enqueue_dma source(%dma_start3A_139 : memref<640x128xf32, #tpu.memory_space<hbm>>) target(%dma_start3A_137 : memref<640x128xf32, #tpu.memory_space<vmem_shared>>) target_semaphore(%run_scoped3A : memref<!tpu.dma_semaphore, #tpu.memory_space<semaphore_mem>>)
      %dma_wait3A_140 = arith.constant 0 : i32
      %dma_wait3A_141 = tpu.memref_slice %arg8[%mul3A_2, %dma_wait3A_140] : memref<10240x128xf32, #tpu.memory_space<vmem_shared>> -> memref<640x128xf32, #tpu.memory_space<vmem_shared>>
      %dma_wait3A_142 = arith.constant 0 : i32
      %dma_wait3A_143 = tpu.memref_slice %arg4[%mul3A_2, %dma_wait3A_142] : memref<10240x128xf32, #tpu.memory_space<hbm>> -> memref<640x128xf32, #tpu.memory_space<hbm>>
      tpu.wait_dma2 semaphore(%run_scoped3A : memref<!tpu.dma_semaphore, #tpu.memory_space<semaphore_mem>>) src(%dma_wait3A_143 : memref<640x128xf32, #tpu.memory_space<hbm>>) dst(%dma_wait3A_141 : memref<640x128xf32, #tpu.memory_space<vmem_shared>>)
      tpu.yield
    }) : () -> ()
    %barrier3A = arith.constant 0 : index
    tpu.barrier barrier_id(%barrier3A)
    %dma_start3A = arith.constant 0 : i32
    %dma_start3A_3 = arith.constant 0 : i32
    %dma_start3A_4 = arith.constant 0 : i32
    %dma_start3A_5 = arith.constant 0 : i32
    %dma_start3A_6 = tpu.memref_slice %arg6[%dma_start3A_3, %dma_start3A_4, %dma_start3A_5] : memref<4x2x80xi32, #tpu.memory_space<vmem>> -> memref<1x2x80xi32, #tpu.memory_space<vmem>>
    %dma_start3A_7 = tpu.memref_squeeze %dma_start3A_6 : memref<1x2x80xi32, #tpu.memory_space<vmem>> -> memref<2x80xi32, #tpu.memory_space<vmem>>
    %dma_start3A_8 = arith.constant 0 : i32
    %dma_start3A_9 = arith.constant 0 : i32
    %dma_start3A_10 = tpu.memref_slice %arg2[%add3A, %dma_start3A, %dma_start3A_8, %dma_start3A_9] : memref<32x125x2x80xi32, #tpu.memory_space<hbm>> -> memref<1x1x2x80xi32, #tpu.memory_space<hbm>>
    %dma_start3A_11 = tpu.memref_squeeze %dma_start3A_10 : memref<1x1x2x80xi32, #tpu.memory_space<hbm>> -> memref<2x80xi32, #tpu.memory_space<hbm>>
    %dma_start3A_12 = arith.constant 0 : i32
    %dma_start3A_13 = arith.constant 0 : i32
    %dma_start3A_14 = tpu.memref_slice %arg6[%dma_start3A_3, %dma_start3A_12, %dma_start3A_13] : memref<4x2x80xi32, #tpu.memory_space<vmem>> -> memref<1x2x80xi32, #tpu.memory_space<vmem>>
    %dma_start3A_15 = tpu.memref_squeeze %dma_start3A_14 : memref<1x2x80xi32, #tpu.memory_space<vmem>> -> memref<2x80xi32, #tpu.memory_space<vmem>>
    %dma_start3A_16 = arith.constant 0 : i32
    %dma_start3A_17 = arith.constant 0 : i32
    %dma_start3A_18 = tpu.memref_slice %arg2[%add3A, %dma_start3A, %dma_start3A_16, %dma_start3A_17] : memref<32x125x2x80xi32, #tpu.memory_space<hbm>> -> memref<1x1x2x80xi32, #tpu.memory_space<hbm>>
    %dma_start3A_19 = tpu.memref_squeeze %dma_start3A_18 : memref<1x1x2x80xi32, #tpu.memory_space<hbm>> -> memref<2x80xi32, #tpu.memory_space<hbm>>
    tpu.enqueue_dma source(%dma_start3A_19 : memref<2x80xi32, #tpu.memory_space<hbm>>) target(%dma_start3A_15 : memref<2x80xi32, #tpu.memory_space<vmem>>) target_semaphore(%arg9 : memref<!tpu.dma_semaphore, #tpu.memory_space<semaphore_mem>>)
    %dma_start3A_20 = arith.constant 1 : i32
    %dma_start3A_21 = arith.constant 1 : i32
    %dma_start3A_22 = arith.constant 0 : i32
    %dma_start3A_23 = arith.constant 0 : i32
    %dma_start3A_24 = tpu.memref_slice %arg6[%dma_start3A_21, %dma_start3A_22, %dma_start3A_23] : memref<4x2x80xi32, #tpu.memory_space<vmem>> -> memref<1x2x80xi32, #tpu.memory_space<vmem>>
    %dma_start3A_25 = tpu.memref_squeeze %dma_start3A_24 : memref<1x2x80xi32, #tpu.memory_space<vmem>> -> memref<2x80xi32, #tpu.memory_space<vmem>>
    %dma_start3A_26 = arith.constant 0 : i32
    %dma_start3A_27 = arith.constant 0 : i32
    %dma_start3A_28 = tpu.memref_slice %arg2[%add3A, %dma_start3A_20, %dma_start3A_26, %dma_start3A_27] : memref<32x125x2x80xi32, #tpu.memory_space<hbm>> -> memref<1x1x2x80xi32, #tpu.memory_space<hbm>>
    %dma_start3A_29 = tpu.memref_squeeze %dma_start3A_28 : memref<1x1x2x80xi32, #tpu.memory_space<hbm>> -> memref<2x80xi32, #tpu.memory_space<hbm>>
    %dma_start3A_30 = arith.constant 0 : i32
    %dma_start3A_31 = arith.constant 0 : i32
    %dma_start3A_32 = tpu.memref_slice %arg6[%dma_start3A_21, %dma_start3A_30, %dma_start3A_31] : memref<4x2x80xi32, #tpu.memory_space<vmem>> -> memref<1x2x80xi32, #tpu.memory_space<vmem>>
    %dma_start3A_33 = tpu.memref_squeeze %dma_start3A_32 : memref<1x2x80xi32, #tpu.memory_space<vmem>> -> memref<2x80xi32, #tpu.memory_space<vmem>>
    %dma_start3A_34 = arith.constant 0 : i32
    %dma_start3A_35 = arith.constant 0 : i32
    %dma_start3A_36 = tpu.memref_slice %arg2[%add3A, %dma_start3A_20, %dma_start3A_34, %dma_start3A_35] : memref<32x125x2x80xi32, #tpu.memory_space<hbm>> -> memref<1x1x2x80xi32, #tpu.memory_space<hbm>>
    %dma_start3A_37 = tpu.memref_squeeze %dma_start3A_36 : memref<1x1x2x80xi32, #tpu.memory_space<hbm>> -> memref<2x80xi32, #tpu.memory_space<hbm>>
    tpu.enqueue_dma source(%dma_start3A_37 : memref<2x80xi32, #tpu.memory_space<hbm>>) target(%dma_start3A_33 : memref<2x80xi32, #tpu.memory_space<vmem>>) target_semaphore(%arg9 : memref<!tpu.dma_semaphore, #tpu.memory_space<semaphore_mem>>)
    %dma_start3A_38 = arith.constant 2 : i32
    %dma_start3A_39 = arith.constant 2 : i32
    %dma_start3A_40 = arith.constant 0 : i32
    %dma_start3A_41 = arith.constant 0 : i32
    %dma_start3A_42 = tpu.memref_slice %arg6[%dma_start3A_39, %dma_start3A_40, %dma_start3A_41] : memref<4x2x80xi32, #tpu.memory_space<vmem>> -> memref<1x2x80xi32, #tpu.memory_space<vmem>>
    %dma_start3A_43 = tpu.memref_squeeze %dma_start3A_42 : memref<1x2x80xi32, #tpu.memory_space<vmem>> -> memref<2x80xi32, #tpu.memory_space<vmem>>
    %dma_start3A_44 = arith.constant 0 : i32
    %dma_start3A_45 = arith.constant 0 : i32
    %dma_start3A_46 = tpu.memref_slice %arg2[%add3A, %dma_start3A_38, %dma_start3A_44, %dma_start3A_45] : memref<32x125x2x80xi32, #tpu.memory_space<hbm>> -> memref<1x1x2x80xi32, #tpu.memory_space<hbm>>
    %dma_start3A_47 = tpu.memref_squeeze %dma_start3A_46 : memref<1x1x2x80xi32, #tpu.memory_space<hbm>> -> memref<2x80xi32, #tpu.memory_space<hbm>>
    %dma_start3A_48 = arith.constant 0 : i32
    %dma_start3A_49 = arith.constant 0 : i32
    %dma_start3A_50 = tpu.memref_slice %arg6[%dma_start3A_39, %dma_start3A_48, %dma_start3A_49] : memref<4x2x80xi32, #tpu.memory_space<vmem>> -> memref<1x2x80xi32, #tpu.memory_space<vmem>>
    %dma_start3A_51 = tpu.memref_squeeze %dma_start3A_50 : memref<1x2x80xi32, #tpu.memory_space<vmem>> -> memref<2x80xi32, #tpu.memory_space<vmem>>
    %dma_start3A_52 = arith.constant 0 : i32
    %dma_start3A_53 = arith.constant 0 : i32
    %dma_start3A_54 = tpu.memref_slice %arg2[%add3A, %dma_start3A_38, %dma_start3A_52, %dma_start3A_53] : memref<32x125x2x80xi32, #tpu.memory_space<hbm>> -> memref<1x1x2x80xi32, #tpu.memory_space<hbm>>
    %dma_start3A_55 = tpu.memref_squeeze %dma_start3A_54 : memref<1x1x2x80xi32, #tpu.memory_space<hbm>> -> memref<2x80xi32, #tpu.memory_space<hbm>>
    tpu.enqueue_dma source(%dma_start3A_55 : memref<2x80xi32, #tpu.memory_space<hbm>>) target(%dma_start3A_51 : memref<2x80xi32, #tpu.memory_space<vmem>>) target_semaphore(%arg9 : memref<!tpu.dma_semaphore, #tpu.memory_space<semaphore_mem>>)
    %dma_wait3A = arith.constant 0 : i32
    %dma_wait3A_56 = arith.constant 0 : i32
    %dma_wait3A_57 = arith.constant 0 : i32
    %dma_wait3A_58 = arith.constant 0 : i32
    %dma_wait3A_59 = tpu.memref_slice %arg6[%dma_wait3A_56, %dma_wait3A_57, %dma_wait3A_58] : memref<4x2x80xi32, #tpu.memory_space<vmem>> -> memref<1x2x80xi32, #tpu.memory_space<vmem>>
    %dma_wait3A_60 = tpu.memref_squeeze %dma_wait3A_59 : memref<1x2x80xi32, #tpu.memory_space<vmem>> -> memref<2x80xi32, #tpu.memory_space<vmem>>
    %dma_wait3A_61 = arith.constant 0 : i32
    %dma_wait3A_62 = arith.constant 0 : i32
    %dma_wait3A_63 = tpu.memref_slice %arg2[%add3A, %dma_wait3A, %dma_wait3A_61, %dma_wait3A_62] : memref<32x125x2x80xi32, #tpu.memory_space<hbm>> -> memref<1x1x2x80xi32, #tpu.memory_space<hbm>>
    %dma_wait3A_64 = tpu.memref_squeeze %dma_wait3A_63 : memref<1x1x2x80xi32, #tpu.memory_space<hbm>> -> memref<2x80xi32, #tpu.memory_space<hbm>>
    %dma_wait3A_65 = arith.constant 0 : i32
    %dma_wait3A_66 = arith.constant 0 : i32
    %dma_wait3A_67 = tpu.memref_slice %arg6[%dma_wait3A_56, %dma_wait3A_65, %dma_wait3A_66] : memref<4x2x80xi32, #tpu.memory_space<vmem>> -> memref<1x2x80xi32, #tpu.memory_space<vmem>>
    %dma_wait3A_68 = tpu.memref_squeeze %dma_wait3A_67 : memref<1x2x80xi32, #tpu.memory_space<vmem>> -> memref<2x80xi32, #tpu.memory_space<vmem>>
    %dma_wait3A_69 = arith.constant 0 : i32
    %dma_wait3A_70 = arith.constant 0 : i32
    %dma_wait3A_71 = tpu.memref_slice %arg2[%add3A, %dma_wait3A, %dma_wait3A_69, %dma_wait3A_70] : memref<32x125x2x80xi32, #tpu.memory_space<hbm>> -> memref<1x1x2x80xi32, #tpu.memory_space<hbm>>
    %dma_wait3A_72 = tpu.memref_squeeze %dma_wait3A_71 : memref<1x1x2x80xi32, #tpu.memory_space<hbm>> -> memref<2x80xi32, #tpu.memory_space<hbm>>
    tpu.wait_dma2 semaphore(%arg9 : memref<!tpu.dma_semaphore, #tpu.memory_space<semaphore_mem>>) src(%dma_wait3A_72 : memref<2x80xi32, #tpu.memory_space<hbm>>) dst(%dma_wait3A_68 : memref<2x80xi32, #tpu.memory_space<vmem>>)
    %dma_start3A_73 = arith.constant 0 : i32
    %dma_start3A_74 = arith.constant 0 : i32
    %dma_start3A_75 = arith.constant 0 : i32
    %dma_start3A_76 = arith.constant 0 : i32
    %dma_start3A_77 = arith.constant 0 : i32
    %dma_start3A_78 = tpu.memref_slice %arg7[%dma_start3A_75, %dma_start3A_76, %dma_start3A_77] : memref<4x80x128xf32, #tpu.memory_space<vmem>> -> memref<1x80x128xf32, #tpu.memory_space<vmem>>
    %dma_start3A_79 = tpu.memref_squeeze %dma_start3A_78 : memref<1x80x128xf32, #tpu.memory_space<vmem>> -> memref<80x128xf32, #tpu.memory_space<vmem>>
    %dma_start3A_80 = arith.constant 0 : i32
    %dma_start3A_81 = tpu.memref_slice %arg6[%dma_start3A_73, %dma_start3A_74, %dma_start3A_80] : memref<4x2x80xi32, #tpu.memory_space<vmem>> -> memref<1x1x80xi32, #tpu.memory_space<vmem>>
    %dma_start3A_82 = tpu.memref_squeeze %dma_start3A_81 : memref<1x1x80xi32, #tpu.memory_space<vmem>> -> memref<80xi32, #tpu.memory_space<vmem>>
    %dma_start3A_83 = arith.constant 0 : i32
    %dma_start3A_84 = arith.constant 0 : i32
    %dma_start3A_85 = tpu.memref_slice %arg3[%dma_start3A_83, %dma_start3A_84] : memref<10000x128xf32, #tpu.memory_space<hbm>> -> memref<10000x128xf32, #tpu.memory_space<hbm>>
    tpu.enqueue_indirect_dma source(%dma_start3A_85 : memref<10000x128xf32, #tpu.memory_space<hbm>>) target(%dma_start3A_79 : memref<80x128xf32, #tpu.memory_space<vmem>>) offsets(%dma_start3A_82 : memref<80xi32, #tpu.memory_space<vmem>>) semaphore(%arg10 : memref<!tpu.dma_semaphore, #tpu.memory_space<semaphore_mem>>)
    %dma_wait3A_86 = arith.constant 1 : i32
    %dma_wait3A_87 = arith.constant 1 : i32
    %dma_wait3A_88 = arith.constant 0 : i32
    %dma_wait3A_89 = arith.constant 0 : i32
    %dma_wait3A_90 = tpu.memref_slice %arg6[%dma_wait3A_87, %dma_wait3A_88, %dma_wait3A_89] : memref<4x2x80xi32, #tpu.memory_space<vmem>> -> memref<1x2x80xi32, #tpu.memory_space<vmem>>
    %dma_wait3A_91 = tpu.memref_squeeze %dma_wait3A_90 : memref<1x2x80xi32, #tpu.memory_space<vmem>> -> memref<2x80xi32, #tpu.memory_space<vmem>>
    %dma_wait3A_92 = arith.constant 0 : i32
    %dma_wait3A_93 = arith.constant 0 : i32
    %dma_wait3A_94 = tpu.memref_slice %arg2[%add3A, %dma_wait3A_86, %dma_wait3A_92, %dma_wait3A_93] : memref<32x125x2x80xi32, #tpu.memory_space<hbm>> -> memref<1x1x2x80xi32, #tpu.memory_space<hbm>>
    %dma_wait3A_95 = tpu.memref_squeeze %dma_wait3A_94 : memref<1x1x2x80xi32, #tpu.memory_space<hbm>> -> memref<2x80xi32, #tpu.memory_space<hbm>>
    %dma_wait3A_96 = arith.constant 0 : i32
    %dma_wait3A_97 = arith.constant 0 : i32
    %dma_wait3A_98 = tpu.memref_slice %arg6[%dma_wait3A_87, %dma_wait3A_96, %dma_wait3A_97] : memref<4x2x80xi32, #tpu.memory_space<vmem>> -> memref<1x2x80xi32, #tpu.memory_space<vmem>>
    %dma_wait3A_99 = tpu.memref_squeeze %dma_wait3A_98 : memref<1x2x80xi32, #tpu.memory_space<vmem>> -> memref<2x80xi32, #tpu.memory_space<vmem>>
    %dma_wait3A_100 = arith.constant 0 : i32
    %dma_wait3A_101 = arith.constant 0 : i32
    %dma_wait3A_102 = tpu.memref_slice %arg2[%add3A, %dma_wait3A_86, %dma_wait3A_100, %dma_wait3A_101] : memref<32x125x2x80xi32, #tpu.memory_space<hbm>> -> memref<1x1x2x80xi32, #tpu.memory_space<hbm>>
    %dma_wait3A_103 = tpu.memref_squeeze %dma_wait3A_102 : memref<1x1x2x80xi32, #tpu.memory_space<hbm>> -> memref<2x80xi32, #tpu.memory_space<hbm>>
    tpu.wait_dma2 semaphore(%arg9 : memref<!tpu.dma_semaphore, #tpu.memory_space<semaphore_mem>>) src(%dma_wait3A_103 : memref<2x80xi32, #tpu.memory_space<hbm>>) dst(%dma_wait3A_99 : memref<2x80xi32, #tpu.memory_space<vmem>>)
    %dma_start3A_104 = arith.constant 1 : i32
    %dma_start3A_105 = arith.constant 0 : i32
    %dma_start3A_106 = arith.constant 1 : i32
    %dma_start3A_107 = arith.constant 0 : i32
    %dma_start3A_108 = arith.constant 0 : i32
    %dma_start3A_109 = tpu.memref_slice %arg7[%dma_start3A_106, %dma_start3A_107, %dma_start3A_108] : memref<4x80x128xf32, #tpu.memory_space<vmem>> -> memref<1x80x128xf32, #tpu.memory_space<vmem>>
    %dma_start3A_110 = tpu.memref_squeeze %dma_start3A_109 : memref<1x80x128xf32, #tpu.memory_space<vmem>> -> memref<80x128xf32, #tpu.memory_space<vmem>>
    %dma_start3A_111 = arith.constant 0 : i32
    %dma_start3A_112 = tpu.memref_slice %arg6[%dma_start3A_104, %dma_start3A_105, %dma_start3A_111] : memref<4x2x80xi32, #tpu.memory_space<vmem>> -> memref<1x1x80xi32, #tpu.memory_space<vmem>>
    %dma_start3A_113 = tpu.memref_squeeze %dma_start3A_112 : memref<1x1x80xi32, #tpu.memory_space<vmem>> -> memref<80xi32, #tpu.memory_space<vmem>>
    %dma_start3A_114 = arith.constant 0 : i32
    %dma_start3A_115 = arith.constant 0 : i32
    %dma_start3A_116 = tpu.memref_slice %arg3[%dma_start3A_114, %dma_start3A_115] : memref<10000x128xf32, #tpu.memory_space<hbm>> -> memref<10000x128xf32, #tpu.memory_space<hbm>>
    tpu.enqueue_indirect_dma source(%dma_start3A_116 : memref<10000x128xf32, #tpu.memory_space<hbm>>) target(%dma_start3A_110 : memref<80x128xf32, #tpu.memory_space<vmem>>) offsets(%dma_start3A_113 : memref<80xi32, #tpu.memory_space<vmem>>) semaphore(%arg10 : memref<!tpu.dma_semaphore, #tpu.memory_space<semaphore_mem>>)
    %scan3A = arith.constant 0 : i32
    %scan3A_117 = arith.constant 0 : i32
    %scan3A_118 = arith.constant 125 : i32
    %scan3A_119 = arith.addi %scan3A_117, %scan3A_118 : i32
    %scan3A_120 = arith.constant 1 : i32
    scf.for %scan3A_136 = %scan3A_117 to %scan3A_119 step %scan3A_120  : i32 {
      %rem3A = arith.constant 4 : i32
      %rem3A_137 = arith.remsi %scan3A_136, %rem3A : i32
      %sub3A = arith.constant 1 : i32
      %sub3A_138 = arith.subi %scan3A_136, %sub3A : i32
      %add3A_139 = arith.constant 4 : i32
      %add3A_140 = arith.addi %sub3A_138, %add3A_139 : i32
      %rem3A_141 = arith.constant 4 : i32
      %rem3A_142 = arith.remsi %add3A_140, %rem3A_141 : i32
      %dma_wait3A_143 = arith.constant 0 : i32
      %dma_wait3A_144 = arith.constant 0 : i32
      %dma_wait3A_145 = arith.constant 0 : i32
      %dma_wait3A_146 = tpu.memref_slice %arg7[%rem3A_137, %dma_wait3A_144, %dma_wait3A_145] : memref<4x80x128xf32, #tpu.memory_space<vmem>> -> memref<1x80x128xf32, #tpu.memory_space<vmem>>
      %dma_wait3A_147 = tpu.memref_squeeze %dma_wait3A_146 : memref<1x80x128xf32, #tpu.memory_space<vmem>> -> memref<80x128xf32, #tpu.memory_space<vmem>>
      %dma_wait3A_148 = arith.constant 0 : i32
      %dma_wait3A_149 = tpu.memref_slice %arg6[%rem3A_137, %dma_wait3A_143, %dma_wait3A_148] : memref<4x2x80xi32, #tpu.memory_space<vmem>> -> memref<1x1x80xi32, #tpu.memory_space<vmem>>
      %dma_wait3A_150 = tpu.memref_squeeze %dma_wait3A_149 : memref<1x1x80xi32, #tpu.memory_space<vmem>> -> memref<80xi32, #tpu.memory_space<vmem>>
      %dma_wait3A_151 = arith.constant 0 : i32
      %dma_wait3A_152 = arith.constant 0 : i32
      %dma_wait3A_153 = tpu.memref_slice %arg3[%dma_wait3A_151, %dma_wait3A_152] : memref<10000x128xf32, #tpu.memory_space<hbm>> -> memref<10000x128xf32, #tpu.memory_space<hbm>>
      tpu.wait_indirect_dma semaphore(%arg10 : memref<!tpu.dma_semaphore, #tpu.memory_space<semaphore_mem>>) src(%dma_wait3A_153 : memref<10000x128xf32, #tpu.memory_space<hbm>>) dst(%dma_wait3A_147 : memref<80x128xf32, #tpu.memory_space<vmem>>)
      %ge3A = arith.constant 1 : i32
      %ge3A_154 = arith.cmpi sge, %scan3A_136, %ge3A : i32
      %convert_element_type3A = arith.extui %ge3A_154 : i1 to i32
      %cond3A = arith.constant 0 : i32
      %cond3A_155 = arith.cmpi ne, %convert_element_type3A, %cond3A : i32
      scf.if %cond3A_155 {
        %dma_wait3A_184 = arith.constant 1 : i32
        %dma_wait3A_185 = arith.constant 0 : i32
        %dma_wait3A_186 = arith.constant 0 : i32
        %dma_wait3A_187 = tpu.memref_slice %arg7[%rem3A_142, %dma_wait3A_185, %dma_wait3A_186] : memref<4x80x128xf32, #tpu.memory_space<vmem>> -> memref<1x80x128xf32, #tpu.memory_space<vmem>>
        %dma_wait3A_188 = tpu.memref_squeeze %dma_wait3A_187 : memref<1x80x128xf32, #tpu.memory_space<vmem>> -> memref<80x128xf32, #tpu.memory_space<vmem>>
        %dma_wait3A_189 = arith.constant 0 : i32
        %dma_wait3A_190 = tpu.memref_slice %arg6[%rem3A_142, %dma_wait3A_184, %dma_wait3A_189] : memref<4x2x80xi32, #tpu.memory_space<vmem>> -> memref<1x1x80xi32, #tpu.memory_space<vmem>>
        %dma_wait3A_191 = tpu.memref_squeeze %dma_wait3A_190 : memref<1x1x80xi32, #tpu.memory_space<vmem>> -> memref<80xi32, #tpu.memory_space<vmem>>
        %dma_wait3A_192 = arith.constant 0 : i32
        %dma_wait3A_193 = arith.constant 0 : i32
        %dma_wait3A_194 = tpu.memref_slice %arg8[%dma_wait3A_192, %dma_wait3A_193] : memref<10240x128xf32, #tpu.memory_space<vmem_shared>> -> memref<10240x128xf32, #tpu.memory_space<vmem_shared>>
        tpu.wait_indirect_dma semaphore(%arg11 : memref<!tpu.dma_semaphore, #tpu.memory_space<semaphore_mem>>) src(%dma_wait3A_188 : memref<80x128xf32, #tpu.memory_space<vmem>>) dst(%dma_wait3A_194 : memref<10240x128xf32, #tpu.memory_space<vmem_shared>>)
      } else {
      }
      %add3A_156 = arith.constant 4 : i32
      %add3A_157 = arith.addi %scan3A_136, %add3A_156 : i32
      %sub3A_158 = arith.constant 1 : i32
      %sub3A_159 = arith.subi %add3A_157, %sub3A_158 : i32
      %lt3A = arith.constant 125 : i32
      %lt3A_160 = arith.cmpi slt, %sub3A_159, %lt3A : i32
      %convert_element_type3A_161 = arith.extui %lt3A_160 : i1 to i32
      %cond3A_162 = arith.constant 0 : i32
      %cond3A_163 = arith.cmpi ne, %convert_element_type3A_161, %cond3A_162 : i32
      scf.if %cond3A_163 {
        %add3A_184 = arith.constant 4 : i32
        %add3A_185 = arith.addi %scan3A_136, %add3A_184 : i32
        %sub3A_186 = arith.constant 1 : i32
        %sub3A_187 = arith.subi %add3A_185, %sub3A_186 : i32
        %dma_start3A_188 = arith.constant 0 : i32
        %dma_start3A_189 = arith.constant 0 : i32
        %dma_start3A_190 = tpu.memref_slice %arg6[%rem3A_142, %dma_start3A_188, %dma_start3A_189] : memref<4x2x80xi32, #tpu.memory_space<vmem>> -> memref<1x2x80xi32, #tpu.memory_space<vmem>>
        %dma_start3A_191 = tpu.memref_squeeze %dma_start3A_190 : memref<1x2x80xi32, #tpu.memory_space<vmem>> -> memref<2x80xi32, #tpu.memory_space<vmem>>
        %dma_start3A_192 = arith.constant 0 : i32
        %dma_start3A_193 = arith.constant 0 : i32
        %dma_start3A_194 = tpu.memref_slice %arg2[%add3A, %sub3A_187, %dma_start3A_192, %dma_start3A_193] : memref<32x125x2x80xi32, #tpu.memory_space<hbm>> -> memref<1x1x2x80xi32, #tpu.memory_space<hbm>>
        %dma_start3A_195 = tpu.memref_squeeze %dma_start3A_194 : memref<1x1x2x80xi32, #tpu.memory_space<hbm>> -> memref<2x80xi32, #tpu.memory_space<hbm>>
        %dma_start3A_196 = arith.constant 0 : i32
        %dma_start3A_197 = arith.constant 0 : i32
        %dma_start3A_198 = tpu.memref_slice %arg6[%rem3A_142, %dma_start3A_196, %dma_start3A_197] : memref<4x2x80xi32, #tpu.memory_space<vmem>> -> memref<1x2x80xi32, #tpu.memory_space<vmem>>
        %dma_start3A_199 = tpu.memref_squeeze %dma_start3A_198 : memref<1x2x80xi32, #tpu.memory_space<vmem>> -> memref<2x80xi32, #tpu.memory_space<vmem>>
        %dma_start3A_200 = arith.constant 0 : i32
        %dma_start3A_201 = arith.constant 0 : i32
        %dma_start3A_202 = tpu.memref_slice %arg2[%add3A, %sub3A_187, %dma_start3A_200, %dma_start3A_201] : memref<32x125x2x80xi32, #tpu.memory_space<hbm>> -> memref<1x1x2x80xi32, #tpu.memory_space<hbm>>
        %dma_start3A_203 = tpu.memref_squeeze %dma_start3A_202 : memref<1x1x2x80xi32, #tpu.memory_space<hbm>> -> memref<2x80xi32, #tpu.memory_space<hbm>>
        tpu.enqueue_dma source(%dma_start3A_203 : memref<2x80xi32, #tpu.memory_space<hbm>>) target(%dma_start3A_199 : memref<2x80xi32, #tpu.memory_space<vmem>>) target_semaphore(%arg9 : memref<!tpu.dma_semaphore, #tpu.memory_space<semaphore_mem>>)
      } else {
      }
      %dma_start3A_164 = arith.constant 1 : i32
      %dma_start3A_165 = arith.constant 0 : i32
      %dma_start3A_166 = arith.constant 0 : i32
      %dma_start3A_167 = tpu.memref_slice %arg7[%rem3A_137, %dma_start3A_165, %dma_start3A_166] : memref<4x80x128xf32, #tpu.memory_space<vmem>> -> memref<1x80x128xf32, #tpu.memory_space<vmem>>
      %dma_start3A_168 = tpu.memref_squeeze %dma_start3A_167 : memref<1x80x128xf32, #tpu.memory_space<vmem>> -> memref<80x128xf32, #tpu.memory_space<vmem>>
      %dma_start3A_169 = arith.constant 0 : i32
      %dma_start3A_170 = tpu.memref_slice %arg6[%rem3A_137, %dma_start3A_164, %dma_start3A_169] : memref<4x2x80xi32, #tpu.memory_space<vmem>> -> memref<1x1x80xi32, #tpu.memory_space<vmem>>
      %dma_start3A_171 = tpu.memref_squeeze %dma_start3A_170 : memref<1x1x80xi32, #tpu.memory_space<vmem>> -> memref<80xi32, #tpu.memory_space<vmem>>
      %dma_start3A_172 = arith.constant 0 : i32
      %dma_start3A_173 = arith.constant 0 : i32
      %dma_start3A_174 = tpu.memref_slice %arg8[%dma_start3A_172, %dma_start3A_173] : memref<10240x128xf32, #tpu.memory_space<vmem_shared>> -> memref<10240x128xf32, #tpu.memory_space<vmem_shared>>
      tpu.enqueue_indirect_dma source(%dma_start3A_168 : memref<80x128xf32, #tpu.memory_space<vmem>>) target(%dma_start3A_174 : memref<10240x128xf32, #tpu.memory_space<vmem_shared>>) offsets(%dma_start3A_171 : memref<80xi32, #tpu.memory_space<vmem>>) semaphore(%arg11 : memref<!tpu.dma_semaphore, #tpu.memory_space<semaphore_mem>>) {add = true}
      %add3A_175 = arith.constant 4 : i32
      %add3A_176 = arith.addi %scan3A_136, %add3A_175 : i32
      %sub3A_177 = arith.constant 2 : i32
      %sub3A_178 = arith.subi %add3A_176, %sub3A_177 : i32
      %lt3A_179 = arith.constant 125 : i32
      %lt3A_180 = arith.cmpi slt, %sub3A_178, %lt3A_179 : i32
      %convert_element_type3A_181 = arith.extui %lt3A_180 : i1 to i32
      %cond3A_182 = arith.constant 0 : i32
      %cond3A_183 = arith.cmpi ne, %convert_element_type3A_181, %cond3A_182 : i32
      scf.if %cond3A_183 {
        %add3A_184 = arith.constant 4 : i32
        %add3A_185 = arith.addi %scan3A_136, %add3A_184 : i32
        %sub3A_186 = arith.constant 2 : i32
        %sub3A_187 = arith.subi %add3A_185, %sub3A_186 : i32
        %rem3A_188 = arith.constant 4 : i32
        %rem3A_189 = arith.remsi %sub3A_187, %rem3A_188 : i32
        %add3A_190 = arith.constant 4 : i32
        %add3A_191 = arith.addi %scan3A_136, %add3A_190 : i32
        %sub3A_192 = arith.constant 2 : i32
        %sub3A_193 = arith.subi %add3A_191, %sub3A_192 : i32
        %dma_wait3A_194 = arith.constant 0 : i32
        %dma_wait3A_195 = arith.constant 0 : i32
        %dma_wait3A_196 = tpu.memref_slice %arg6[%rem3A_189, %dma_wait3A_194, %dma_wait3A_195] : memref<4x2x80xi32, #tpu.memory_space<vmem>> -> memref<1x2x80xi32, #tpu.memory_space<vmem>>
        %dma_wait3A_197 = tpu.memref_squeeze %dma_wait3A_196 : memref<1x2x80xi32, #tpu.memory_space<vmem>> -> memref<2x80xi32, #tpu.memory_space<vmem>>
        %dma_wait3A_198 = arith.constant 0 : i32
        %dma_wait3A_199 = arith.constant 0 : i32
        %dma_wait3A_200 = tpu.memref_slice %arg2[%add3A, %sub3A_193, %dma_wait3A_198, %dma_wait3A_199] : memref<32x125x2x80xi32, #tpu.memory_space<hbm>> -> memref<1x1x2x80xi32, #tpu.memory_space<hbm>>
        %dma_wait3A_201 = tpu.memref_squeeze %dma_wait3A_200 : memref<1x1x2x80xi32, #tpu.memory_space<hbm>> -> memref<2x80xi32, #tpu.memory_space<hbm>>
        %dma_wait3A_202 = arith.constant 0 : i32
        %dma_wait3A_203 = arith.constant 0 : i32
        %dma_wait3A_204 = tpu.memref_slice %arg6[%rem3A_189, %dma_wait3A_202, %dma_wait3A_203] : memref<4x2x80xi32, #tpu.memory_space<vmem>> -> memref<1x2x80xi32, #tpu.memory_space<vmem>>
        %dma_wait3A_205 = tpu.memref_squeeze %dma_wait3A_204 : memref<1x2x80xi32, #tpu.memory_space<vmem>> -> memref<2x80xi32, #tpu.memory_space<vmem>>
        %dma_wait3A_206 = arith.constant 0 : i32
        %dma_wait3A_207 = arith.constant 0 : i32
        %dma_wait3A_208 = tpu.memref_slice %arg2[%add3A, %sub3A_193, %dma_wait3A_206, %dma_wait3A_207] : memref<32x125x2x80xi32, #tpu.memory_space<hbm>> -> memref<1x1x2x80xi32, #tpu.memory_space<hbm>>
        %dma_wait3A_209 = tpu.memref_squeeze %dma_wait3A_208 : memref<1x1x2x80xi32, #tpu.memory_space<hbm>> -> memref<2x80xi32, #tpu.memory_space<hbm>>
        tpu.wait_dma2 semaphore(%arg9 : memref<!tpu.dma_semaphore, #tpu.memory_space<semaphore_mem>>) src(%dma_wait3A_209 : memref<2x80xi32, #tpu.memory_space<hbm>>) dst(%dma_wait3A_205 : memref<2x80xi32, #tpu.memory_space<vmem>>)
        %dma_start3A_210 = arith.constant 0 : i32
        %dma_start3A_211 = arith.constant 0 : i32
        %dma_start3A_212 = arith.constant 0 : i32
        %dma_start3A_213 = tpu.memref_slice %arg7[%rem3A_189, %dma_start3A_211, %dma_start3A_212] : memref<4x80x128xf32, #tpu.memory_space<vmem>> -> memref<1x80x128xf32, #tpu.memory_space<vmem>>
        %dma_start3A_214 = tpu.memref_squeeze %dma_start3A_213 : memref<1x80x128xf32, #tpu.memory_space<vmem>> -> memref<80x128xf32, #tpu.memory_space<vmem>>
        %dma_start3A_215 = arith.constant 0 : i32
        %dma_start3A_216 = tpu.memref_slice %arg6[%rem3A_189, %dma_start3A_210, %dma_start3A_215] : memref<4x2x80xi32, #tpu.memory_space<vmem>> -> memref<1x1x80xi32, #tpu.memory_space<vmem>>
        %dma_start3A_217 = tpu.memref_squeeze %dma_start3A_216 : memref<1x1x80xi32, #tpu.memory_space<vmem>> -> memref<80xi32, #tpu.memory_space<vmem>>
        %dma_start3A_218 = arith.constant 0 : i32
        %dma_start3A_219 = arith.constant 0 : i32
        %dma_start3A_220 = tpu.memref_slice %arg3[%dma_start3A_218, %dma_start3A_219] : memref<10000x128xf32, #tpu.memory_space<hbm>> -> memref<10000x128xf32, #tpu.memory_space<hbm>>
        tpu.enqueue_indirect_dma source(%dma_start3A_220 : memref<10000x128xf32, #tpu.memory_space<hbm>>) target(%dma_start3A_214 : memref<80x128xf32, #tpu.memory_space<vmem>>) offsets(%dma_start3A_217 : memref<80xi32, #tpu.memory_space<vmem>>) semaphore(%arg10 : memref<!tpu.dma_semaphore, #tpu.memory_space<semaphore_mem>>)
      } else {
      }
    }
    %scan3A_121 = arith.constant 125 : i32
    %dma_wait3A_122 = arith.constant 0 : i32
    %dma_wait3A_123 = arith.constant 0 : i32
    %dma_wait3A_124 = arith.constant 1 : i32
    %dma_wait3A_125 = arith.constant 0 : i32
    %dma_wait3A_126 = arith.constant 0 : i32
    %dma_wait3A_127 = tpu.memref_slice %arg7[%dma_wait3A_122, %dma_wait3A_125, %dma_wait3A_126] : memref<4x80x128xf32, #tpu.memory_space<vmem>> -> memref<1x80x128xf32, #tpu.memory_space<vmem>>
    %dma_wait3A_128 = tpu.memref_squeeze %dma_wait3A_127 : memref<1x80x128xf32, #tpu.memory_space<vmem>> -> memref<80x128xf32, #tpu.memory_space<vmem>>
    %dma_wait3A_129 = arith.constant 0 : i32
    %dma_wait3A_130 = tpu.memref_slice %arg6[%dma_wait3A_123, %dma_wait3A_124, %dma_wait3A_129] : memref<4x2x80xi32, #tpu.memory_space<vmem>> -> memref<1x1x80xi32, #tpu.memory_space<vmem>>
    %dma_wait3A_131 = tpu.memref_squeeze %dma_wait3A_130 : memref<1x1x80xi32, #tpu.memory_space<vmem>> -> memref<80xi32, #tpu.memory_space<vmem>>
    %dma_wait3A_132 = arith.constant 0 : i32
    %dma_wait3A_133 = arith.constant 0 : i32
    %dma_wait3A_134 = tpu.memref_slice %arg8[%dma_wait3A_132, %dma_wait3A_133] : memref<10240x128xf32, #tpu.memory_space<vmem_shared>> -> memref<10240x128xf32, #tpu.memory_space<vmem_shared>>
    tpu.wait_indirect_dma semaphore(%arg11 : memref<!tpu.dma_semaphore, #tpu.memory_space<semaphore_mem>>) src(%dma_wait3A_128 : memref<80x128xf32, #tpu.memory_space<vmem>>) dst(%dma_wait3A_134 : memref<10240x128xf32, #tpu.memory_space<vmem_shared>>)
    %barrier3A_135 = arith.constant 0 : index
    tpu.barrier barrier_id(%barrier3A_135)
    "tpu.region"() ({
      %run_scoped3A = tpu.sem_alloc : memref<!tpu.dma_semaphore, #tpu.memory_space<semaphore_mem>>
      %dma_start3A_136 = arith.constant 0 : i32
      %dma_start3A_137 = arith.constant 0 : i32
      %dma_start3A_138 = tpu.memref_slice %arg5[%arg0, %dma_start3A_136, %dma_start3A_137] : memref<2x10240x128xf32, #tpu.memory_space<hbm>> -> memref<1x10240x128xf32, #tpu.memory_space<hbm>>
      %dma_start3A_139 = tpu.memref_squeeze %dma_start3A_138 : memref<1x10240x128xf32, #tpu.memory_space<hbm>> -> memref<10240x128xf32, #tpu.memory_space<hbm>>
      %dma_start3A_140 = arith.constant 0 : i32
      %dma_start3A_141 = tpu.memref_slice %dma_start3A_139[%mul3A_2, %dma_start3A_140] : memref<10240x128xf32, #tpu.memory_space<hbm>> -> memref<640x128xf32, #tpu.memory_space<hbm>>
      %dma_start3A_142 = arith.constant 0 : i32
      %dma_start3A_143 = tpu.memref_slice %arg8[%mul3A_2, %dma_start3A_142] : memref<10240x128xf32, #tpu.memory_space<vmem_shared>> -> memref<640x128xf32, #tpu.memory_space<vmem_shared>>
      tpu.enqueue_dma source(%dma_start3A_143 : memref<640x128xf32, #tpu.memory_space<vmem_shared>>) target(%dma_start3A_141 : memref<640x128xf32, #tpu.memory_space<hbm>>) target_semaphore(%run_scoped3A : memref<!tpu.dma_semaphore, #tpu.memory_space<semaphore_mem>>)
      %dma_wait3A_144 = arith.constant 0 : i32
      %dma_wait3A_145 = arith.constant 0 : i32
      %dma_wait3A_146 = tpu.memref_slice %arg5[%arg0, %dma_wait3A_144, %dma_wait3A_145] : memref<2x10240x128xf32, #tpu.memory_space<hbm>> -> memref<1x10240x128xf32, #tpu.memory_space<hbm>>
      %dma_wait3A_147 = tpu.memref_squeeze %dma_wait3A_146 : memref<1x10240x128xf32, #tpu.memory_space<hbm>> -> memref<10240x128xf32, #tpu.memory_space<hbm>>
      %dma_wait3A_148 = arith.constant 0 : i32
      %dma_wait3A_149 = tpu.memref_slice %dma_wait3A_147[%mul3A_2, %dma_wait3A_148] : memref<10240x128xf32, #tpu.memory_space<hbm>> -> memref<640x128xf32, #tpu.memory_space<hbm>>
      %dma_wait3A_150 = arith.constant 0 : i32
      %dma_wait3A_151 = tpu.memref_slice %arg8[%mul3A_2, %dma_wait3A_150] : memref<10240x128xf32, #tpu.memory_space<vmem_shared>> -> memref<640x128xf32, #tpu.memory_space<vmem_shared>>
      tpu.wait_dma2 semaphore(%run_scoped3A : memref<!tpu.dma_semaphore, #tpu.memory_space<semaphore_mem>>) src(%dma_wait3A_151 : memref<640x128xf32, #tpu.memory_space<vmem_shared>>) dst(%dma_wait3A_149 : memref<640x128xf32, #tpu.memory_space<hbm>>)
      tpu.yield
    }) : () -> ()
    return
  }
}

module attributes {stable_mosaic.version = 14 : i64} {
  func.func @_tc_scale_body(%arg0: memref<10000x128xf32, #tpu.memory_space<vmem>>, %arg1: memref<128x128xf32, #tpu.memory_space<vmem>>, %arg2: memref<2x10240x1xf32, #tpu.memory_space<vmem>>, %arg3: memref<10000x128xf32, #tpu.memory_space<vmem>>) attributes {dimension_semantics = [], scalar_prefetch = 0 : i64, scratch_operands = 0 : i64, tpu.core_type = #tpu.core_type<tc>} {
    %get3A = arith.constant 0 : index
    %get3A_0 = arith.constant 0 : index
    %get3A_1 = arith.constant 0 : index
    %get3A_2 = vector.load %arg2[%get3A, %get3A_0, %get3A_1] : memref<2x10240x1xf32, #tpu.memory_space<vmem>>, vector<1x10240x1xf32>
    %get3A_3 = vector.shape_cast %get3A_2 : vector<1x10240x1xf32> to vector<10240x1xf32>
    %get3A_4 = arith.constant 1 : index
    %get3A_5 = arith.constant 0 : index
    %get3A_6 = arith.constant 0 : index
    %get3A_7 = vector.load %arg2[%get3A_4, %get3A_5, %get3A_6] : memref<2x10240x1xf32, #tpu.memory_space<vmem>>, vector<1x10240x1xf32>
    %get3A_8 = vector.shape_cast %get3A_7 : vector<1x10240x1xf32> to vector<10240x1xf32>
    %add3A = arith.addf %get3A_3, %get3A_8 : vector<10240x1xf32>
    %add3A_9 = arith.constant 1.000000e+00 : f32
    %add3A_10 = vector.broadcast %add3A_9 : f32 to vector<10240x1xf32>
    %add3A_11 = arith.addf %add3A, %add3A_10 : vector<10240x1xf32>
    %rsqrt3A = math.rsqrt %add3A_11 : vector<10240x1xf32>
    %get3A_12 = arith.constant 0 : index
    %get3A_13 = arith.constant 0 : index
    %get3A_14 = vector.load %arg0[%get3A_12, %get3A_13] : memref<10000x128xf32, #tpu.memory_space<vmem>>, vector<10000x128xf32>
    %get3A_15 = arith.constant 0 : index
    %get3A_16 = arith.constant 0 : index
    %get3A_17 = vector.load %arg1[%get3A_15, %get3A_16] : memref<128x128xf32, #tpu.memory_space<vmem>>, vector<128x128xf32>
    %dot_general3A = arith.constant dense<0.000000e+00> : vector<10000x128xf32>
    %dot_general3A_18 = tpu.matmul %get3A_14, %get3A_17, %dot_general3A {dimension_numbers = #tpu.dot_dimension_numbers<[1], [0], [0], [1], [0, 0, 1, 1], [], []>, transpose_lhs_hint = false} : vector<10000x128xf32>, vector<128x128xf32>, vector<10000x128xf32> -> vector<10000x128xf32>
    %slice3A = vector.extract_strided_slice %rsqrt3A {offsets = [0, 0], sizes = [10000, 1], strides = [1, 1]} : vector<10240x1xf32> to vector<10000x1xf32>
    %mul3A = vector.broadcast %slice3A : vector<10000x1xf32> to vector<10000x128xf32>
    %mul3A_19 = arith.mulf %dot_general3A_18, %mul3A : vector<10000x128xf32>
    %swap3A = arith.constant 0 : index
    %swap3A_20 = arith.constant 0 : index
    %swap3A_21 = vector.load %arg3[%swap3A, %swap3A_20] : memref<10000x128xf32, #tpu.memory_space<vmem>>, vector<10000x128xf32>
    tpu.vector_store %arg3[%swap3A, %swap3A_20], %mul3A_19 {strides = array<i32>} : memref<10000x128xf32, #tpu.memory_space<vmem>>, vector<10000x128xf32>,
    return
  }
}

module attributes {stable_mosaic.version = 14 : i64} {
  func.func @_tc_final_body(%arg0: memref<2x10240x128xf32, #tpu.memory_space<vmem>>, %arg1: memref<10000x128xf32, #tpu.memory_space<vmem>>, %arg2: memref<2x10240x1xf32, #tpu.memory_space<vmem>>, %arg3: memref<1x128xf32, #tpu.memory_space<vmem>>, %arg4: memref<128x128xf32, #tpu.memory_space<vmem>>, %arg5: memref<1x128xf32, #tpu.memory_space<vmem>>, %arg6: memref<10000x128xf32, #tpu.memory_space<vmem>>, %arg7: memref<10000x128xf32, #tpu.memory_space<vmem>>) attributes {dimension_semantics = [], scalar_prefetch = 0 : i64, scratch_operands = 0 : i64, tpu.core_type = #tpu.core_type<tc>} {
    %get3A = arith.constant 0 : index
    %get3A_0 = arith.constant 0 : index
    %get3A_1 = arith.constant 0 : index
    %get3A_2 = vector.load %arg2[%get3A, %get3A_0, %get3A_1] : memref<2x10240x1xf32, #tpu.memory_space<vmem>>, vector<1x10240x1xf32>
    %get3A_3 = vector.shape_cast %get3A_2 : vector<1x10240x1xf32> to vector<10240x1xf32>
    %get3A_4 = arith.constant 1 : index
    %get3A_5 = arith.constant 0 : index
    %get3A_6 = arith.constant 0 : index
    %get3A_7 = vector.load %arg2[%get3A_4, %get3A_5, %get3A_6] : memref<2x10240x1xf32, #tpu.memory_space<vmem>>, vector<1x10240x1xf32>
    %get3A_8 = vector.shape_cast %get3A_7 : vector<1x10240x1xf32> to vector<10240x1xf32>
    %add3A = arith.addf %get3A_3, %get3A_8 : vector<10240x1xf32>
    %add3A_9 = arith.constant 1.000000e+00 : f32
    %add3A_10 = vector.broadcast %add3A_9 : f32 to vector<10240x1xf32>
    %add3A_11 = arith.addf %add3A, %add3A_10 : vector<10240x1xf32>
    %rsqrt3A = math.rsqrt %add3A_11 : vector<10240x1xf32>
    %slice3A = vector.extract_strided_slice %rsqrt3A {offsets = [0, 0], sizes = [10000, 1], strides = [1, 1]} : vector<10240x1xf32> to vector<10000x1xf32>
    %get3A_12 = arith.constant 0 : index
    %get3A_13 = arith.constant 0 : index
    %get3A_14 = arith.constant 0 : index
    %get3A_15 = vector.load %arg0[%get3A_12, %get3A_13, %get3A_14] : memref<2x10240x128xf32, #tpu.memory_space<vmem>>, vector<1x10000x128xf32>
    %get3A_16 = vector.shape_cast %get3A_15 : vector<1x10000x128xf32> to vector<10000x128xf32>
    %get3A_17 = arith.constant 1 : index
    %get3A_18 = arith.constant 0 : index
    %get3A_19 = arith.constant 0 : index
    %get3A_20 = vector.load %arg0[%get3A_17, %get3A_18, %get3A_19] : memref<2x10240x128xf32, #tpu.memory_space<vmem>>, vector<1x10000x128xf32>
    %get3A_21 = vector.shape_cast %get3A_20 : vector<1x10000x128xf32> to vector<10000x128xf32>
    %add3A_22 = arith.addf %get3A_16, %get3A_21 : vector<10000x128xf32>
    %get3A_23 = arith.constant 0 : index
    %get3A_24 = arith.constant 0 : index
    %get3A_25 = vector.load %arg1[%get3A_23, %get3A_24] : memref<10000x128xf32, #tpu.memory_space<vmem>>, vector<10000x128xf32>
    %add3A_26 = arith.addf %add3A_22, %get3A_25 : vector<10000x128xf32>
    %mul3A = vector.broadcast %slice3A : vector<10000x1xf32> to vector<10000x128xf32>
    %mul3A_27 = arith.mulf %add3A_26, %mul3A : vector<10000x128xf32>
    %get3A_28 = arith.constant 0 : index
    %get3A_29 = arith.constant 0 : index
    %get3A_30 = vector.load %arg3[%get3A_28, %get3A_29] : memref<1x128xf32, #tpu.memory_space<vmem>>, vector<1x128xf32>
    %add3A_31 = vector.broadcast %get3A_30 : vector<1x128xf32> to vector<10000x128xf32>
    %add3A_32 = arith.addf %mul3A_27, %add3A_31 : vector<10000x128xf32>
    %max3A = arith.constant 0.000000e+00 : f32
    %max3A_33 = vector.broadcast %max3A : f32 to vector<10000x128xf32>
    %max3A_34 = arith.maximumf %add3A_32, %max3A_33 : vector<10000x128xf32>
    %swap3A = arith.constant 0 : index
    %swap3A_35 = arith.constant 0 : index
    %swap3A_36 = vector.load %arg6[%swap3A, %swap3A_35] : memref<10000x128xf32, #tpu.memory_space<vmem>>, vector<10000x128xf32>
    tpu.vector_store %arg6[%swap3A, %swap3A_35], %max3A_34 {strides = array<i32>} : memref<10000x128xf32, #tpu.memory_space<vmem>>, vector<10000x128xf32>,
    %get3A_37 = arith.constant 0 : index
    %get3A_38 = arith.constant 0 : index
    %get3A_39 = vector.load %arg4[%get3A_37, %get3A_38] : memref<128x128xf32, #tpu.memory_space<vmem>>, vector<128x128xf32>
    %dot_general3A = arith.constant dense<0.000000e+00> : vector<10000x128xf32>
    %dot_general3A_40 = tpu.matmul %max3A_34, %get3A_39, %dot_general3A {dimension_numbers = #tpu.dot_dimension_numbers<[1], [0], [0], [1], [0, 0, 1, 1], [], []>, transpose_lhs_hint = false} : vector<10000x128xf32>, vector<128x128xf32>, vector<10000x128xf32> -> vector<10000x128xf32>
    %get3A_41 = arith.constant 0 : index
    %get3A_42 = arith.constant 0 : index
    %get3A_43 = vector.load %arg5[%get3A_41, %get3A_42] : memref<1x128xf32, #tpu.memory_space<vmem>>, vector<1x128xf32>
    %add3A_44 = vector.broadcast %get3A_43 : vector<1x128xf32> to vector<10000x128xf32>
    %add3A_45 = arith.addf %dot_general3A_40, %add3A_44 : vector<10000x128xf32>
    %swap3A_46 = arith.constant 0 : index
    %swap3A_47 = arith.constant 0 : index
    %swap3A_48 = vector.load %arg7[%swap3A_46, %swap3A_47] : memref<10000x128xf32, #tpu.memory_space<vmem>>, vector<10000x128xf32>
    tpu.vector_store %arg7[%swap3A_46, %swap3A_47], %add3A_45 {strides = array<i32>} : memref<10000x128xf32, #tpu.memory_space<vmem>>, vector<10000x128xf32>,
    return
  }
}

</mosaic_0001>

<sc_bundles>
// kernel: kernel.6.cloned.1.call-start
scs
__scs_entry_jumppad:
0x0: {  	(pc) =	sbr.rel $0x88, $3  }
0x1: {  	(tag) =	ssettag $0x0;
	lr =	simm.s32 $0x1  }
0x2: {  	[smem:$0x3F9B] =	sst lr;
	_ =	strace $0xD0000000  }
0x3: {  	_ = 	snop  }
0x4: {  	_ = 	snop  }
0x5: {  	_ = 	snop  }
0x6: {  	_ = 	snop  }
0x7: {  	_ = 	snop  }
__scs_overlays_trampoline_lowered:
0x8: {  	[smem:$0x3FAA] =	sst s0  }
0x9: {  	[smem:$0x3FAB] =	sst s1  }
0xa: {  	[smem:$0x3FAC] =	sst s2  }
0xb: {  	[smem:$0x3FAD] =	sst s3  }
0xc: {  	[smem:$0x3FAE] =	sst s4  }
0xd: {  	[smem:$0x3FAF] =	sst s5  }
0xe: {  	[smem:$0x3FB0] =	sst s6  }
0xf: {  	[smem:$0x3FB1] =	sst s7  }
0x10: {  	[smem:$0x3FB2] =	sst s8  }
0x11: {  	[smem:$0x3FB3] =	sst s9;
	s0 =	simm.s32 @!p0 $0x0  }
0x12: {  	s1 =	sld [smem:$0x3F99];
	s0 =	simm.s32 @p0 $0x1  }
0x13: {  	[smem:$0x3FB4] =	sst s0;
	s0 =	simm.s32 @!p1 $0x0  }
0x14: {  	s2 =	sld [smem:$0x3F98];
	s0 =	simm.s32 @p1 $0x1  }
0x15: {  	[smem:$0x3FB5] =	sst s0;
	s0 =	simm.s32 @!p2 $0x0  }
0x16: {  	s3 =	sld [smem:$0x3FDB];
	s0 =	simm.s32 @p2 $0x1  }
0x17: {  	s4 =	simm.s32 $0x1BF5;
	[smem:$0x3FB7] =	sst s0  }
0x18: {  	s0 =	sld [smem:$0x3F9A];
	_ =	swait.ge [sflag:s4], $0x0  }
0x19: {  	s7 =	sld [smem:$0x3F9B]  }
0x1a: {  	s8 =	sadd.s32 $0xFFFFE003, lr  }
0x1b: {  	s9 =	sadd.s32 $0xFFFFFEF7, lr;
	s5 =	simm.s32 $0xFFFFFFFF;
	p2 =	slt.u32 s8, $0xFFFFF086  }
0x1c: {  	p1 =	slt.u32 s9, $0xF7A;
	s5 =	simm.s32 @!p2 $0x0  }
0x1d: {  	s5 =	simm.s32 @p1 $0x1;
	p0 =	seq.s32 s7, s2  }
0x1e: {  	s7 =	smul.u32 @!p0 $0xF7A, s2;
	p2 =	seq.s32 @!p0 s5, $0x0  }
0x1f: {  	s9 =	smul.u32 $0xF7A, s1;
	s8 =	simm.s32 @!p0 $0x1BF5;
	p2 =	por !p2, p0  }
0x20: {  	[sflag:s8] =	ssyncset.s32 @!p0 $0xFFFFF086;
	s6 =	sadd.s32 @!p0 s3, s7;
	s7 =	simm.s32 @!p0 $0x108  }
0x21: {  	s3 =	sadd.s32 s3, s9;
	s6 =	sadd.s32 @!p0 $0x88, s6;
	s7 =	simm.s32 @p2 $0x1082  }
0x22: {  	[simem:s7], [sflag:s8] =	dma.local @!p0 [hbm:s6], $0xF7A  }
0x23: {  	s9 =	sor.u32 $0xD0000000, s2;
	s6 =	simm.s32 $0x108;
	_ =	swait.ge @!p0 [sflag:s8], $0x0  }
0x24: {  	s3 =	sadd.s32 $0x88, s3;
	s6 =	simm.s32 @!p1 $0x1082;
	[sflag:s4] =	ssyncset.s32 $0xFFFFF086  }
0x25: {  	[simem:s6], [sflag:s4] =	dma.local [hbm:s3], $0xF7A  }
0x26: {  	[smem:$0x3F9B] =	sst s1;
	(tag) =	ssettag s2;
	_ =	strace s9  }
0x27: {  	s1 =	sld [smem:$0x3FAB]  }
0x28: {  	s2 =	sld [smem:$0x3FAC]  }
0x29: {  	s4 =	sld [smem:$0x3FAE]  }
0x2a: {  	p0 =	seq.s32 s5, $0x0;
	s5 =	sld [smem:$0x3FAF]  }
0x2b: {  	s6 =	sld [smem:$0x3FB0]  }
0x2c: {  	s7 =	sld [smem:$0x3FB1]  }
0x2d: {  	s3 =	simm.s32 $0x108;
	s8 =	sld [smem:$0x3FB2]  }
0x2e: {  	s3 =	simm.s32 @!p0 $0x1082;
	s9 =	sld [smem:$0x3FB3]  }
0x2f: {  	lr =	sadd.s32 s0, s3;
	s0 =	sld [smem:$0x3FAA]  }
0x30: {  	s3 =	sld [smem:$0x3FAD]  }
0x31: {  	[smem:$0x3FB6] =	sst s10  }
0x32: {  	s10 =	sld [smem:$0x3FB4];
	_ =	sdelay $0x3  }
0x33: {  	p0 =	seq.s32 s10, $0x1;
	s10 =	sld [smem:$0x3FB6];
	_ =	sdelay $0x3  }
0x34: {  	[smem:$0x3FB6] =	sst s10  }
0x35: {  	s10 =	sld [smem:$0x3FB5];
	_ =	sdelay $0x3  }
0x36: {  	p1 =	seq.s32 s10, $0x1;
	s10 =	sld [smem:$0x3FB6];
	_ =	sdelay $0x3  }
0x37: {  	[smem:$0x3FB6] =	sst s10  }
0x38: {  	s10 =	sld [smem:$0x3FB7]  }
0x39: {  	_ = 	snop;
	(pc) =	sbr.ind lr, $3  }
0x3a: {  	_ = 	snop  }
0x3b: {  	_ = 	snop  }
0x3c: {  	p2 =	seq.s32 s10, $0x1;
	s10 =	sld [smem:$0x3FB6]  }
0x3d: {  	_ =	shalt  }
0x3e: {  	_ =	shalt  }
0x3f: {  	_ =	shalt  }
0x40: {  	_ =	shalt  }
0x41: {  	_ =	shalt  }
0x42: {  	_ =	shalt  }
0x43: {  	_ =	shalt  }
0x44: {  	_ =	shalt  }
0x45: {  	_ =	shalt  }
0x46: {  	_ =	shalt  }
0x47: {  	_ =	shalt  }
0x48: {  	_ =	shalt  }
0x49: {  	_ =	shalt  }
0x4a: {  	_ =	shalt  }
0x4b: {  	_ =	shalt  }
0x4c: {  	_ =	shalt  }
0x4d: {  	_ =	shalt  }
0x4e: {  	_ =	shalt  }
0x4f: {  	_ =	shalt  }
0x50: {  	_ =	shalt  }
0x51: {  	_ =	shalt  }
0x52: {  	_ =	shalt  }
0x53: {  	_ =	shalt  }
0x54: {  	_ =	shalt  }
0x55: {  	_ =	shalt  }
0x56: {  	_ =	shalt  }
0x57: {  	_ =	shalt  }
0x58: {  	_ =	shalt  }
0x59: {  	_ =	shalt  }
0x5a: {  	_ =	shalt  }
0x5b: {  	_ =	shalt  }
0x5c: {  	_ =	shalt  }
0x5d: {  	_ =	shalt  }
0x5e: {  	_ =	shalt  }
0x5f: {  	_ =	shalt  }
0x60: {  	_ =	shalt  }
0x61: {  	_ =	shalt  }
0x62: {  	_ =	shalt  }
0x63: {  	_ =	shalt  }
0x64: {  	_ =	shalt  }
0x65: {  	_ =	shalt  }
0x66: {  	_ =	shalt  }
0x67: {  	_ =	shalt  }
0x68: {  	_ =	shalt  }
0x69: {  	_ =	shalt  }
0x6a: {  	_ =	shalt  }
0x6b: {  	_ =	shalt  }
0x6c: {  	_ =	shalt  }
0x6d: {  	_ =	shalt  }
0x6e: {  	_ =	shalt  }
0x6f: {  	_ =	shalt  }
0x70: {  	_ =	shalt  }
0x71: {  	_ =	shalt  }
0x72: {  	_ =	shalt  }
0x73: {  	_ =	shalt  }
0x74: {  	_ =	shalt  }
0x75: {  	_ =	shalt  }
0x76: {  	_ =	shalt  }
0x77: {  	_ =	shalt  }
0x78: {  	_ =	shalt  }
0x79: {  	_ =	shalt  }
0x7a: {  	_ =	shalt  }
0x7b: {  	_ =	shalt  }
0x7c: {  	_ =	shalt  }
0x7d: {  	_ =	shalt  }
0x7e: {  	_ =	shalt  }
0x7f: {  	_ =	shalt  }
0x80: {  	_ =	shalt  }
0x81: {  	_ =	shalt  }
0x82: {  	_ =	shalt  }
0x83: {  	_ =	shalt  }
0x84: {  	_ =	shalt  }
0x85: {  	_ =	shalt  }
0x86: {  	_ =	shalt  }
0x87: {  	_ =	shalt  }
.Lfunc_end0:
.L_simem_size_0:
called_computation_lowered:
.L_overlay_start_0:
0x88: {  	s2 =	sld [smem:$0x3FD9]  }
0x89: {  	s3 =	sld [smem:$0x3FFE];
	_ =	sdelay $0x1  }
0x8a: {  	s1 =	srdreg.scid  }
0x8b: {  	s0 =	sand.u32 $0x1, s1  }
0x8c: {  	s14 =	sshll.u32 s0, $0xA;
	s2 =	sadd.s32 s3, s2  }
0x8d: {  	s2 =	sadd.s32 s2, s14  }
0x8e: {  	[smem:$0x3FC2] =	sst s2  }
0x8f: {  	_ = 	snop  }
0x90: {  	s2 =	sld [smem:$0x3FD0];
	_ =	sdelay $0x2  }
0x91: {  	s15 =	simm.s32 $0xA;
	s4 =	simm.s32 $0x10  }
0x92: {  	[smem:s4], [sflag:s15] =	dma.local [hbm:s2], $0x1  }
0x93: {  	_ =	swait.eq [sflag:s15], $0x1  }
0x94: {  	[sflag:s15] =	ssyncset.done $0x0  }
0x95: {  	s16 =	sld [smem:$0x10];
	[sflag:s15] =	ssyncadd.s32 $0xFFFFFFFF  }
0x96: {  	s17 =	sld [smem:$0x11];
	(tm) =	ssettm $0x1  }
0x97: {  	s18 =	sld [smem:$0x3FFB];
	_ =	sdelay $0x3  }
0x98: {  	_ =	strace s18  }
0x99: {  	s4 =	sld [smem:$0x3FFC];
	_ =	sdelay $0x3  }
0x9a: {  	_ =	strace s4  }
0x9b: {  	s4 =	sld [smem:$0x3FFD];
	_ =	sdelay $0x3  }
0x9c: {  	_ =	strace s4  }
0x9d: {  	_ =	strace $0x8FFFFFFF  }
0x9e: {  	s19 =	sld [smem:$0x3FDB];
	_ =	sdelay $0x1  }
0x9f: {  	s5 =	simm.s32 $_scs_section_size  }
0xa0: {  	s6 =	simm.s32 $_size__tile_overlayer_lowered;
	s7 =	simm.s32 $_tile_overlayer_lowered  }
0xa1: {  	s22 =	simm.s32 $0x1BFF;
	s21 =	sshll.u32 s7, $0x1;
	s4 =	sadd.s32 s5, s19  }
0xa2: {  	s8 =	simm.s32 $0x0;
	s20 =	sshll.u32 s6, $0x1;
	s6 =	sadd.s32 s21, s4  }
0xa3: {  	[timem:s8], [sflag:s22] =	dma.local [hbm:s6], s20  }
0xa4: {  	_ =	swait.ge [sflag:s22], s20  }
0xa5: {  	s5 =	ssub.s32 $0x0, s20;
	[sflag:s22] =	ssyncset.done $0x0  }
0xa6: {  	[sflag:s22] =	ssyncadd.s32 s5;
	_ =	sdelay $0x1  }
0xa7: {  	s23 =	simm.s32 $0x1B8B  }
0xa8: {  	_ =	swait.ge [sflag:s23], $0x1  }
0xa9: {  	[sflag:s23] =	ssyncset.done $0x0  }
0xaa: {  	s25 =	simm.s32 $0x1B8E;
	s24 =	sld [smem:$0x3FFE];
	[sflag:s23] =	ssyncadd.s32 $0xFFFFFFFF  }
0xab: {  	s26 =	simm.s32 $execute0_lowered;
	[smem:$0x3FD2] =	sst s25  }
0xac: {  	s6 =	sshll.u32 s26, $0x1;
	_ =	strace $0x80000046;
	[dreg:$0x1] =	wrdreg $0xFFFFFFFF  }
0xad: {  	s28 =	simm.s32 $_size_execute0_lowered;
	s4 =	sadd.s32 s4, s6;
	[dreg:$0x0] =	wrdreg $0x0  }
0xae: {  	s6 =	sshll.u32 s28, $0x1;
	[dreg:$0x2] =	wrdreg s4  }
0xaf: {  	[dreg:$0x3] =	wrdreg s6  }
0xb0: {  	[dreg:$0x4] =	wrdreg $0xC0  }
0xb1: {  	_ =	task [dreg:s8], $0x5FFFF  }
0xb2: {  	[dreg:$0x1] =	wrdreg $0xFFFFFFFF  }
0xb3: {  	[dreg:$0x0] =	wrdreg $0x60  }
0xb4: {  	[dreg:$0x2] =	wrdreg s24  }
0xb5: {  	[dreg:$0x3] =	wrdreg s16  }
0xb6: {  	[dreg:$0x4] =	wrdreg s17  }
0xb7: {  	[dreg:$0x5] =	wrdreg $0x7D800  }
0xb8: {  	[dreg:$0x6] =	wrdreg $0x9  }
0xb9: {  	_ =	task.clear_ibuf [dreg:s8], $0x7FFFF;
	_ =	strace $0x90000046  }
0xba: {  	s29 =	simm.s32 $0x9;
	_ =	strace $0x80000048  }
0xbb: {  	_ =	swait.ge [sflag:s29], $0x1  }
0xbc: {  	[sflag:s29] =	ssyncadd.s32 $0xFFFFFFFF  }
0xbd: {  	_ =	strace $0x90000048  }
0xbe: {  	_ =	sfence  }
0xbf: {  	s30 =	sld [smem:$0x0];
	_ =	sdelay $0x2  }
0xc0: {  	s31 =	sshll.u32 s1, $0xD;
	s1 =	sshrl.u32 s1, $0x2  }
0xc1: {  	s3 =	sand.u32 $0x4000, s31;
	s1 =	sadd.s32 s1, s30  }
0xc2: {  	s0 =	sor.u32 s3, s0;
	s1 =	sshll.u32 s1, $0x11  }
0xc3: {  	s0 =	sor.u32 s1, s0  }
0xc4: {  	s0 =	sadd.s32 $0x8F2B, s0  }
0xc5: {  	[sflag:s0] =	ssyncadd.remote.s32 $0x1  }
0xc6: {  	_ =	sfence.sel $0xFFFF  }
0xc7: {  	[dreg:$0x0] =	wrdreg $0xFFFFFFFF;
	(pc) =	sbr.abs _section_cstart, $3  }
0xc8: {  	[dreg:$0x1] =	wrdreg $0xFFFFFFFF  }
0xc9: {  	_ =	task.clear_ibuf [dreg:s8], $0x2FFFF;
	_ =	strace $0x9FFFFFFF  }
0xca: {  	(tm) =	ssettm $0x7FFFFFFF  }
0xcb: {  	_ =	shalt  }
tec
execute0_lowered:
.L_overlay_start_1:
0x0: {  	(tag) =	ssettag $0x1  }
0x1: {  	s4 =	rddreg [dreg:$0x0]  }
0x2: {  	s6 =	rddreg [dreg:$0x1]  }
0x3: {  	s0 =	srdreg.scid;
	s7 =	rddreg [dreg:$0x2]  }
0x4: {  	s2 =	rddreg [dreg:$0x3];
	s1 =	stileid.u32;
	s3 =	simm.s32 $0x0  }
0x5: {  	s15 =	simm.s32 $0x10;
	s5 =	sand.u32 $0x1, s0;
	s0 =	rddreg [dreg:$0x4]  }
0x6: {  	s16 =	simm.s32 $0x0;
	[smem:$0x7FF] =	sst s3;
	s10 =	smul.u32 $0x280, s1  }
0x7: {  	s14 =	smul.u32 $0xA0, s1;
	s31 =	sshll.u32 s1, $0x6;
	s8 =	sshll.u32 s5, $0x4  }
0x8: {  	_ =	strace $0x80000047;
	s5 =	ssub.s32 $0x2, s5;
	s9 =	sor.u32 s1, s8  }
0x9: {  	s11 =	sshrl.u32 s5, $0x1;
	s30 =	sshrl.u32 s10, $0x3;
	s12 =	sadd.s32 s10, s2  }
0xa: {  	s13 =	sadd.s32 s7, s8;
	s8 =	simm.s32 $0x1;
	s10 =	sor.u32 $0x1C01, s31  }
0xb: {  	s9 =	smul.u32 $0xFA0, s9;
	s11 =	ssub.s32 s5, s11;
	s6 =	sadd.s32 s6, s30  }
0xc: {  	s13 =	sadd.s32 s14, s13;
	s14 =	simm.s32 $0x20;
	s7 =	smax.u32 s11, $0x1  }
0xd: {  	s11 =	sshrl.u32 s12, $0x3;
	s12 =	simm.s32 $0x50;
	s9 =	sadd.s32 s9, s4  }
0xe: {  	s4 =	sadd.s32 $0x20800, s4;
	s5 =	sadd.s32 $0x1400, s9;
	s9 =	simm.s32 $0x7D00  }
.LBB2_1:
0xf: {  	[tilespmem:s3], [sflag:$0x1] =	stream.linear.gather [hbm4b:s5+s3], $0x7D00, $0x38;
	[tilespmem:$0x8000] =	vst v63  }
0x10: {  	_ =	swait.ge [sflag:s8], $0x7D00  }
0x11: {  	[sflag:s8] =	ssyncset.done $0x0  }
0x12: {  	[sflag:s8] =	ssyncadd.s32 $0xFFFF8300  }
0x13: {  	[tilespmem:s9], [sflag:$0x1] =	stream.linear.gather [hbm4b:s4+s3], $0x80, $0x38;
	[tilespmem:$0x8000] =	vst v63  }
0x14: {  	_ =	swait.ge [sflag:s8], $0x80  }
0x15: {  	[sflag:s8] =	ssyncset.done $0x0  }
0x16: {  	[sflag:s8] =	ssyncadd.s32 $0xFFFFFF80  }
0x17: {  	[spmem:s11], [sflag:s10] =	dma.local [hbm:s6], $0x50  }
0x18: {  	_ =	swait.ge [sflag:s8], $0x50  }
0x19: {  	[sflag:s8] =	ssyncset.done $0x0  }
0x1a: {  	[sflag:s8] =	ssyncadd.s32 $0xFFFFFFB0  }
0x1b: {  	s17 =	simm.s32 $0x80;
	[bflag:$0x0] =	sbarrier.arrive $0xFFFF  }
0x1c: {  	[spmem:s2] =	stream.indirect.scatter.add.f32 [tilespmem:s9], [sflag:$0x1], $0x1, s17, s12, $0xb8;
	[tilespmem:$0x8000] =	vst v63  }
0x1d: {  	_ =	swait.ge [sflag:s8], $0x50  }
0x1e: {  	s17 =	simm.s32 $0x600;
	[sflag:s8] =	ssyncset.done $0x0  }
.LBB2_2:
0x1f: {  	s18 =	sshra.s32 s17, $0x2;
	[sflag:s8] =	ssyncadd.s32 $0xFFFFFFB0;
	p0 =	sne.s32 s17, $0x1F200  }
0x20: {  	[spmem:s2] =	stream.indirect.scatter.add.f32 [tilespmem:s9], [sflag:$0x1], $0x1, s18, s12, $0xb8;
	[tilespmem:$0x8000] =	vst v63  }
.Ltmp0:
0x21: {  	_ = 	snop;
	(pc) =	sbr.rel @p0 .LBB2_2-.Ltmp0, $4  }
0x22: {  	_ = 	snop  }
0x23: {  	s17 =	sadd.s32 $0x400, s17  }
0x24: {  	_ =	swait.ge [sflag:s8], $0x50  }
0x25: {  	[sflag:s8] =	ssyncset.done $0x0  }
0x26: {  	s16 =	sadd.s32 $0x1, s16  }
0x27: {  	[sflag:s8] =	ssyncadd.s32 $0xFFFFFFB0;
	p0 =	sne.s32 s16, s7  }
.Ltmp1:
0x28: {  	[bflag:$0x0] =	sbarrier.arrive $0xFFFF;
	(pc) =	sbr.rel @p0 .LBB2_1-.Ltmp1, $4  }
0x29: {  	[hbm:s13@s14], [sflag:s10] =	dma.strided [spmem:s11@s15], $0x50, s8, $0x10   }
0x2a: {  	_ =	swait.ge [sflag:s8], $0x50  }
0x2b: {  	[sflag:s8] =	ssyncset.done $0x0  }
0x2c: {  	[sflag:s8] =	ssyncadd.s32 $0xFFFFFFB0  }
0x2d: {  	_ =	sfence.sel $0x180000  }
0x2e: {  	[bflag:$0x0] =	sbarrier.arrive $0xFFFF  }
0x2f: {  	p0 =	sne.s32 s1, $0x0;
	_ =	strace $0x90000047  }
0x30: {  	s0 =	sadd.s32 @!p0 $0x100000, s0;
	[bflag:$0x2] =	sbarrier.arrive $0xFFFF  }
0x31: {  	[sflag:s0] =	ssyncadd.tile.s32 @!p0 $0x1;
	_ =	shalt  }
.Lfunc_end2:
_tile_overlayer_lowered:
.L_overlay_start_2:
0x32: {  	(tag) =	ssettag $0x2  }
0x33: {  	s0 =	rddreg [dreg:$0x0];
	s2 =	stileid.u32  }
0x34: {  	s1 =	rddreg [dreg:$0x1];
	p0 =	sne.s32 s2, $0x0  }
0x35: {  	s3 =	rddreg [dreg:$0x2];
	[bflag:$0x3] =	sbarrier.arrive $0xFFFF;
	s2 =	simm.s32 @!p0 $0x1C01  }
0x36: {  	[timem:s3], [sflag:s2] =	dma.local @!p0 [hbm:s0], s1  }
0x37: {  	s0 =	simm.s32 @!p0 $0x1  }
0x38: {  	_ =	swait.ge @!p0 [sflag:s0], s1  }
0x39: {  	s1 =	ssub.s32 @!p0 $0x0, s1;
	[sflag:s0] =	ssyncset.done @!p0 $0x0  }
0x3a: {  	[sflag:s0] =	ssyncadd.s32 @!p0 s1  }
0x3b: {  	[bflag:$0x3] =	sbarrier.arrive $0xFFFF  }
0x3c: {  	_ =	shalt  }

// kernel: kernel.9.cloned.1.call-start
scs
__scs_entry_jumppad:
0x0: {  	(pc) =	sbr.rel $0x88, $3  }
0x1: {  	(tag) =	ssettag $0x0;
	lr =	simm.s32 $0x1  }
0x2: {  	[smem:$0x3F9B] =	sst lr;
	_ =	strace $0xD0000000  }
0x3: {  	_ = 	snop  }
0x4: {  	_ = 	snop  }
0x5: {  	_ = 	snop  }
0x6: {  	_ = 	snop  }
0x7: {  	_ = 	snop  }
__scs_overlays_trampoline_lowered:
0x8: {  	[smem:$0x3FAA] =	sst s0  }
0x9: {  	[smem:$0x3FAB] =	sst s1  }
0xa: {  	[smem:$0x3FAC] =	sst s2  }
0xb: {  	[smem:$0x3FAD] =	sst s3  }
0xc: {  	[smem:$0x3FAE] =	sst s4  }
0xd: {  	[smem:$0x3FAF] =	sst s5  }
0xe: {  	[smem:$0x3FB0] =	sst s6  }
0xf: {  	[smem:$0x3FB1] =	sst s7  }
0x10: {  	[smem:$0x3FB2] =	sst s8  }
0x11: {  	[smem:$0x3FB3] =	sst s9;
	s0 =	simm.s32 @!p0 $0x0  }
0x12: {  	s1 =	sld [smem:$0x3F99];
	s0 =	simm.s32 @p0 $0x1  }
0x13: {  	[smem:$0x3FB4] =	sst s0;
	s0 =	simm.s32 @!p1 $0x0  }
0x14: {  	s2 =	sld [smem:$0x3F98];
	s0 =	simm.s32 @p1 $0x1  }
0x15: {  	[smem:$0x3FB5] =	sst s0;
	s0 =	simm.s32 @!p2 $0x0  }
0x16: {  	s3 =	sld [smem:$0x3FDB];
	s0 =	simm.s32 @p2 $0x1  }
0x17: {  	s4 =	simm.s32 $0x1BF5;
	[smem:$0x3FB7] =	sst s0  }
0x18: {  	s0 =	sld [smem:$0x3F9A];
	_ =	swait.ge [sflag:s4], $0x0  }
0x19: {  	s7 =	sld [smem:$0x3F9B]  }
0x1a: {  	s8 =	sadd.s32 $0xFFFFE003, lr  }
0x1b: {  	s9 =	sadd.s32 $0xFFFFFEF7, lr;
	s5 =	simm.s32 $0xFFFFFFFF;
	p2 =	slt.u32 s8, $0xFFFFF086  }
0x1c: {  	p1 =	slt.u32 s9, $0xF7A;
	s5 =	simm.s32 @!p2 $0x0  }
0x1d: {  	s5 =	simm.s32 @p1 $0x1;
	p0 =	seq.s32 s7, s2  }
0x1e: {  	s7 =	smul.u32 @!p0 $0xF7A, s2;
	p2 =	seq.s32 @!p0 s5, $0x0  }
0x1f: {  	s9 =	smul.u32 $0xF7A, s1;
	s8 =	simm.s32 @!p0 $0x1BF5;
	p2 =	por !p2, p0  }
0x20: {  	[sflag:s8] =	ssyncset.s32 @!p0 $0xFFFFF086;
	s6 =	sadd.s32 @!p0 s3, s7;
	s7 =	simm.s32 @!p0 $0x108  }
0x21: {  	s3 =	sadd.s32 s3, s9;
	s6 =	sadd.s32 @!p0 $0x88, s6;
	s7 =	simm.s32 @p2 $0x1082  }
0x22: {  	[simem:s7], [sflag:s8] =	dma.local @!p0 [hbm:s6], $0xF7A  }
0x23: {  	s9 =	sor.u32 $0xD0000000, s2;
	s6 =	simm.s32 $0x108;
	_ =	swait.ge @!p0 [sflag:s8], $0x0  }
0x24: {  	s3 =	sadd.s32 $0x88, s3;
	s6 =	simm.s32 @!p1 $0x1082;
	[sflag:s4] =	ssyncset.s32 $0xFFFFF086  }
0x25: {  	[simem:s6], [sflag:s4] =	dma.local [hbm:s3], $0xF7A  }
0x26: {  	[smem:$0x3F9B] =	sst s1;
	(tag) =	ssettag s2;
	_ =	strace s9  }
0x27: {  	s1 =	sld [smem:$0x3FAB]  }
0x28: {  	s2 =	sld [smem:$0x3FAC]  }
0x29: {  	s4 =	sld [smem:$0x3FAE]  }
0x2a: {  	p0 =	seq.s32 s5, $0x0;
	s5 =	sld [smem:$0x3FAF]  }
0x2b: {  	s6 =	sld [smem:$0x3FB0]  }
0x2c: {  	s7 =	sld [smem:$0x3FB1]  }
0x2d: {  	s3 =	simm.s32 $0x108;
	s8 =	sld [smem:$0x3FB2]  }
0x2e: {  	s3 =	simm.s32 @!p0 $0x1082;
	s9 =	sld [smem:$0x3FB3]  }
0x2f: {  	lr =	sadd.s32 s0, s3;
	s0 =	sld [smem:$0x3FAA]  }
0x30: {  	s3 =	sld [smem:$0x3FAD]  }
0x31: {  	[smem:$0x3FB6] =	sst s10  }
0x32: {  	s10 =	sld [smem:$0x3FB4];
	_ =	sdelay $0x3  }
0x33: {  	p0 =	seq.s32 s10, $0x1;
	s10 =	sld [smem:$0x3FB6];
	_ =	sdelay $0x3  }
0x34: {  	[smem:$0x3FB6] =	sst s10  }
0x35: {  	s10 =	sld [smem:$0x3FB5];
	_ =	sdelay $0x3  }
0x36: {  	p1 =	seq.s32 s10, $0x1;
	s10 =	sld [smem:$0x3FB6];
	_ =	sdelay $0x3  }
0x37: {  	[smem:$0x3FB6] =	sst s10  }
0x38: {  	s10 =	sld [smem:$0x3FB7]  }
0x39: {  	_ = 	snop;
	(pc) =	sbr.ind lr, $3  }
0x3a: {  	_ = 	snop  }
0x3b: {  	_ = 	snop  }
0x3c: {  	p2 =	seq.s32 s10, $0x1;
	s10 =	sld [smem:$0x3FB6]  }
0x3d: {  	_ =	shalt  }
0x3e: {  	_ =	shalt  }
0x3f: {  	_ =	shalt  }
0x40: {  	_ =	shalt  }
0x41: {  	_ =	shalt  }
0x42: {  	_ =	shalt  }
0x43: {  	_ =	shalt  }
0x44: {  	_ =	shalt  }
0x45: {  	_ =	shalt  }
0x46: {  	_ =	shalt  }
0x47: {  	_ =	shalt  }
0x48: {  	_ =	shalt  }
0x49: {  	_ =	shalt  }
0x4a: {  	_ =	shalt  }
0x4b: {  	_ =	shalt  }
0x4c: {  	_ =	shalt  }
0x4d: {  	_ =	shalt  }
0x4e: {  	_ =	shalt  }
0x4f: {  	_ =	shalt  }
0x50: {  	_ =	shalt  }
0x51: {  	_ =	shalt  }
0x52: {  	_ =	shalt  }
0x53: {  	_ =	shalt  }
0x54: {  	_ =	shalt  }
0x55: {  	_ =	shalt  }
0x56: {  	_ =	shalt  }
0x57: {  	_ =	shalt  }
0x58: {  	_ =	shalt  }
0x59: {  	_ =	shalt  }
0x5a: {  	_ =	shalt  }
0x5b: {  	_ =	shalt  }
0x5c: {  	_ =	shalt  }
0x5d: {  	_ =	shalt  }
0x5e: {  	_ =	shalt  }
0x5f: {  	_ =	shalt  }
0x60: {  	_ =	shalt  }
0x61: {  	_ =	shalt  }
0x62: {  	_ =	shalt  }
0x63: {  	_ =	shalt  }
0x64: {  	_ =	shalt  }
0x65: {  	_ =	shalt  }
0x66: {  	_ =	shalt  }
0x67: {  	_ =	shalt  }
0x68: {  	_ =	shalt  }
0x69: {  	_ =	shalt  }
0x6a: {  	_ =	shalt  }
0x6b: {  	_ =	shalt  }
0x6c: {  	_ =	shalt  }
0x6d: {  	_ =	shalt  }
0x6e: {  	_ =	shalt  }
0x6f: {  	_ =	shalt  }
0x70: {  	_ =	shalt  }
0x71: {  	_ =	shalt  }
0x72: {  	_ =	shalt  }
0x73: {  	_ =	shalt  }
0x74: {  	_ =	shalt  }
0x75: {  	_ =	shalt  }
0x76: {  	_ =	shalt  }
0x77: {  	_ =	shalt  }
0x78: {  	_ =	shalt  }
0x79: {  	_ =	shalt  }
0x7a: {  	_ =	shalt  }
0x7b: {  	_ =	shalt  }
0x7c: {  	_ =	shalt  }
0x7d: {  	_ =	shalt  }
0x7e: {  	_ =	shalt  }
0x7f: {  	_ =	shalt  }
0x80: {  	_ =	shalt  }
0x81: {  	_ =	shalt  }
0x82: {  	_ =	shalt  }
0x83: {  	_ =	shalt  }
0x84: {  	_ =	shalt  }
0x85: {  	_ =	shalt  }
0x86: {  	_ =	shalt  }
0x87: {  	_ =	shalt  }
.Lfunc_end0:
.L_simem_size_0:
called_computation.1_lowered:
.L_overlay_start_0:
0x88: {  	s2 =	sld [smem:$0x3FD9]  }
0x89: {  	s3 =	sld [smem:$0x3FFE];
	_ =	sdelay $0x1  }
0x8a: {  	s1 =	srdreg.scid  }
0x8b: {  	s0 =	sand.u32 $0x1, s1  }
0x8c: {  	s14 =	sshll.u32 s0, $0xA;
	s2 =	sadd.s32 s3, s2  }
0x8d: {  	s2 =	sadd.s32 s2, s14  }
0x8e: {  	[smem:$0x3FC2] =	sst s2  }
0x8f: {  	_ = 	snop  }
0x90: {  	s2 =	sld [smem:$0x3FD0];
	_ =	sdelay $0x2  }
0x91: {  	s15 =	simm.s32 $0xA;
	s4 =	simm.s32 $0x10  }
0x92: {  	[smem:s4], [sflag:s15] =	dma.local [hbm:s2], $0x1  }
0x93: {  	_ =	swait.eq [sflag:s15], $0x1  }
0x94: {  	[sflag:s15] =	ssyncset.done $0x0  }
0x95: {  	[sflag:s15] =	ssyncadd.s32 $0xFFFFFFFF  }
0x96: {  	s16 =	sld [smem:$0x10];
	(tm) =	ssettm $0x1  }
0x97: {  	s17 =	sld [smem:$0x3FFB];
	_ =	sdelay $0x3  }
0x98: {  	_ =	strace s17  }
0x99: {  	s3 =	sld [smem:$0x3FFC];
	_ =	sdelay $0x3  }
0x9a: {  	_ =	strace s3  }
0x9b: {  	s3 =	sld [smem:$0x3FFD];
	_ =	sdelay $0x3  }
0x9c: {  	_ =	strace s3  }
0x9d: {  	_ =	strace $0x8FFFFFFF  }
0x9e: {  	s18 =	sld [smem:$0x3FDB];
	_ =	sdelay $0x1  }
0x9f: {  	s19 =	simm.s32 $_scs_section_size  }
0xa0: {  	s5 =	simm.s32 $_size__tile_overlayer_lowered;
	s6 =	simm.s32 $_tile_overlayer_lowered  }
0xa1: {  	s22 =	simm.s32 $0x1BFF;
	s21 =	sshll.u32 s6, $0x1;
	s3 =	sadd.s32 s19, s18  }
0xa2: {  	s7 =	simm.s32 $0x0;
	s20 =	sshll.u32 s5, $0x1;
	s5 =	sadd.s32 s21, s3  }
0xa3: {  	[timem:s7], [sflag:s22] =	dma.local [hbm:s5], s20  }
0xa4: {  	_ =	swait.ge [sflag:s22], s20  }
0xa5: {  	s4 =	ssub.s32 $0x0, s20;
	[sflag:s22] =	ssyncset.done $0x0  }
0xa6: {  	[sflag:s22] =	ssyncadd.s32 s4;
	_ =	sdelay $0x1  }
0xa7: {  	s23 =	simm.s32 $0x1B8B  }
0xa8: {  	_ =	swait.ge [sflag:s23], $0x1  }
0xa9: {  	[sflag:s23] =	ssyncset.done $0x0  }
0xaa: {  	s25 =	simm.s32 $0x1B8E;
	s24 =	sld [smem:$0x3FFE];
	[sflag:s23] =	ssyncadd.s32 $0xFFFFFFFF  }
0xab: {  	s26 =	simm.s32 $execute0_lowered;
	[smem:$0x3FD2] =	sst s25  }
0xac: {  	s5 =	sshll.u32 s26, $0x1;
	_ =	strace $0x80000049;
	[dreg:$0x1] =	wrdreg $0xFFFFFFFF  }
0xad: {  	s28 =	simm.s32 $_size_execute0_lowered;
	s3 =	sadd.s32 s3, s5;
	[dreg:$0x0] =	wrdreg $0x0  }
0xae: {  	s5 =	sshll.u32 s28, $0x1;
	[dreg:$0x2] =	wrdreg s3  }
0xaf: {  	[dreg:$0x3] =	wrdreg s5  }
0xb0: {  	[dreg:$0x4] =	wrdreg $0xC0  }
0xb1: {  	_ =	task [dreg:s7], $0x5FFFF  }
0xb2: {  	[dreg:$0x1] =	wrdreg $0xFFFFFFFF  }
0xb3: {  	[dreg:$0x0] =	wrdreg $0x60  }
0xb4: {  	[dreg:$0x2] =	wrdreg s24  }
0xb5: {  	[dreg:$0x3] =	wrdreg s16  }
0xb6: {  	[dreg:$0x4] =	wrdreg $0xA4000  }
0xb7: {  	[dreg:$0x5] =	wrdreg $0x9  }
0xb8: {  	_ =	task.clear_ibuf [dreg:s7], $0x6FFFF;
	_ =	strace $0x90000049  }
0xb9: {  	s29 =	simm.s32 $0x9;
	_ =	strace $0x8000004B  }
0xba: {  	_ =	swait.ge [sflag:s29], $0x1  }
0xbb: {  	[sflag:s29] =	ssyncadd.s32 $0xFFFFFFFF  }
0xbc: {  	_ =	strace $0x9000004B  }
0xbd: {  	_ =	sfence  }
0xbe: {  	s30 =	sld [smem:$0x0];
	_ =	sdelay $0x2  }
0xbf: {  	s31 =	sshll.u32 s1, $0xD;
	s1 =	sshrl.u32 s1, $0x2  }
0xc0: {  	s3 =	sand.u32 $0x4000, s31;
	s1 =	sadd.s32 s1, s30  }
0xc1: {  	s0 =	sor.u32 s3, s0;
	s1 =	sshll.u32 s1, $0x11  }
0xc2: {  	s0 =	sor.u32 s1, s0  }
0xc3: {  	s0 =	sadd.s32 $0x8F2B, s0  }
0xc4: {  	[sflag:s0] =	ssyncadd.remote.s32 $0x1  }
0xc5: {  	_ =	sfence.sel $0xFFFF  }
0xc6: {  	[dreg:$0x0] =	wrdreg $0xFFFFFFFF;
	(pc) =	sbr.abs _section_cstart, $3  }
0xc7: {  	[dreg:$0x1] =	wrdreg $0xFFFFFFFF  }
0xc8: {  	_ =	task.clear_ibuf [dreg:s7], $0x2FFFF;
	_ =	strace $0x9FFFFFFF  }
0xc9: {  	(tm) =	ssettm $0x7FFFFFFF  }
tec
execute0_lowered:
.L_overlay_start_1:
0x0: {  	(tag) =	ssettag $0x1  }
0x1: {  	s0 =	rddreg [dreg:$0x0]  }
0x2: {  	s2 =	rddreg [dreg:$0x1]  }
0x3: {  	s3 =	rddreg [dreg:$0x2];
	s4 =	simm.s32 $0x0;
	s11 =	stileid.u32  }
0x4: {  	s1 =	srdreg.scid;
	s14 =	simm.s32 $0x4;
	s15 =	simm.s32 $0x100  }
0x5: {  	s16 =	simm.s32 $0x200;
	s17 =	simm.s32 $0x50;
	s18 =	simm.s32 $0x400  }
0x6: {  	s20 =	simm.s32 $0x2;
	s22 =	simm.s32 $0x80;
	s23 =	simm.s32 $0x5400  }
0x7: {  	s25 =	simm.s32 $0x3;
	s28 =	simm.s32 $0x0;
	s19 =	smul.u32 $0x2800, s11  }
0x8: {  	[smem:$0x7FF] =	sst s4;
	s1 =	sand.u32 $0x1, s1;
	s7 =	smul.u32 $0x50000, s11  }
0x9: {  	s12 =	sadd.s32 $0x1400, s0;
	s30 =	smul.u32 $0x7D00, s11;
	s31 =	sshll.u32 s11, $0x6  }
0xa: {  	_ =	strace $0x8000004A;
	s5 =	smul.u32 $0x28000, s1;
	s6 =	sshll.u32 s1, $0x4  }
0xb: {  	s9 =	ssub.s32 $0x2, s1;
	s1 =	smul.u32 $0x7D000, s1;
	s6 =	sor.u32 s11, s6  }
0xc: {  	s8 =	sadd.s32 s19, s0;
	s26 =	sshrl.u32 s9, $0x1;
	s29 =	sshrl.u32 s7, $0x2  }
0xd: {  	s7 =	sor.u32 $0x1C04, s31;
	s6 =	smul.u32 $0x7D00, s6;
	s0 =	sadd.s32 s5, s0  }
0xe: {  	s10 =	ssub.s32 s9, s26;
	s13 =	sadd.s32 s29, s3;
	s5 =	sadd.s32 $0x70800, s8  }
.Ltmp0:
0xf: {  	s1 =	sadd.s32 s30, s1;
	s26 =	simm.s32 $0x1;
	(pc) =	sbr.rel .LBB2_1-.Ltmp0, $4  }
0x10: {  	s1 =	sadd.s32 $0x400, s1;
	s0 =	sadd.s32 $0x98800, s0;
	s10 =	smax.u32 s10, $0x1  }
0x11: {  	s13 =	sshrl.u32 s13, $0x3;
	s6 =	sshrl.u32 s6, $0x3;
	s1 =	sshrl.u32 s1, $0x3  }
0x12: {  	s24 =	sadd.s32 s19, s0;
	s6 =	sadd.s32 s12, s6;
	s12 =	sadd.s32 s1, s12  }
0x13: {  	s8 =	sadd.s32 $0x20, s6;
	s9 =	sadd.s32 $0x40, s6;
	s11 =	sadd.s32 $0x60, s6  }
.LBB2_7:
0x14: {  	_ =	swait.ge [sflag:s25], $0x2800  }
0x15: {  	s28 =	sadd.s32 $0x1, s28;
	[sflag:s25] =	ssyncset.done $0x0  }
0x16: {  	p0 =	sne.s32 s28, s10;
	[sflag:s25] =	ssyncadd.s32 $0xFFFFD800  }
.Ltmp1:
0x17: {  	[bflag:$0x0] =	sbarrier.arrive $0xFFFF;
	(pc) =	sbr.rel @!p0 .LBB2_8-.Ltmp1, $4  }
0x18: {  	[hbm:s24], [sflag:s7] =	dma.local [spmem:s13], $0x2800  }
0x19: {  	_ =	swait.ge [sflag:s14], $0x2800  }
0x1a: {  	[sflag:s14] =	ssyncset.done $0x0  }
0x1b: {  	[sflag:s14] =	ssyncadd.s32 $0xFFFFD800  }
.LBB2_1:
0x1c: {  	[spmem:s13], [sflag:s7] =	dma.local [hbm:s5], $0x2800  }
0x1d: {  	_ =	swait.ge [sflag:s14], $0x2800  }
0x1e: {  	[sflag:s14] =	ssyncset.done $0x0  }
0x1f: {  	[sflag:s14] =	ssyncadd.s32 $0xFFFFD800  }
0x20: {  	[bflag:$0x0] =	sbarrier.arrive $0xFFFF  }
0x21: {  	[tilespmem:s4], [sflag:$0x1] =	stream.linear.gather [hbm4b:s6+s4], $0x100, $0x38;
	[tilespmem:$0x1E400] =	vst v63  }
0x22: {  	_ = 	snop  }
0x23: {  	[tilespmem:s15], [sflag:$0x1] =	stream.linear.gather [hbm4b:s8+s4], $0x100, $0x38;
	[tilespmem:$0x1E400] =	vst v63  }
0x24: {  	_ = 	snop  }
0x25: {  	[tilespmem:s16], [sflag:$0x1] =	stream.linear.gather [hbm4b:s9+s4], $0x100, $0x38;
	[tilespmem:$0x1E400] =	vst v63  }
0x26: {  	_ =	swait.ge [sflag:s26], $0x100  }
0x27: {  	[sflag:s26] =	ssyncset.done $0x0  }
0x28: {  	[sflag:s26] =	ssyncadd.s32 $0xFFFFFF00  }
0x29: {  	[tilespmem:s18], [sflag:$0x2] =	stream.indirect.gather [hbm4b:s2+s17], $0x80, s4, s17, $0xb8;
	[tilespmem:$0x1E400] =	vst v63  }
0x2a: {  	_ =	swait.ge [sflag:s26], $0x100  }
0x2b: {  	[sflag:s26] =	ssyncset.done $0x0  }
0x2c: {  	s0 =	simm.s32 $0x2C00;
	[sflag:s26] =	ssyncadd.s32 $0xFFFFFF00  }
0x2d: {  	[tilespmem:s0], [sflag:$0x2] =	stream.indirect.gather [hbm4b:s2+s17], $0x80, s15, s17, $0xb8;
	[tilespmem:$0x1E400] =	vst v63  }
0x2e: {  	_ =	swait.ge [sflag:s20], $0x2800  }
0x2f: {  	[sflag:s20] =	ssyncset.done $0x0  }
0x30: {  	s21 =	simm.s32 $0x300;
	[sflag:s20] =	ssyncadd.s32 $0xFFFFD800  }
0x31: {  	[tilespmem:s21], [sflag:$0x1] =	stream.linear.gather [hbm4b:s11+s4], $0x100, $0x38;
	[tilespmem:$0x1E400] =	vst v63  }
0x32: {  	_ = 	snop  }
0x33: {  	[spmem:s3] =	stream.indirect.scatter.add.f32 [tilespmem:s18], [sflag:$0x3], $0x80, s22, s17, $0xb8;
	[tilespmem:$0x1E400] =	vst v63  }
.Ltmp2:
0x34: {  	_ = 	snop;
	(pc) =	sbr.rel .LBB2_2-.Ltmp2, $4  }
0x35: {  	_ =	swait.ge [sflag:s26], $0x100  }
0x36: {  	s29 =	simm.s32 $0x1000;
	[sflag:s26] =	ssyncset.done $0x0  }
0x37: {  	s30 =	smov.u32 s12;
	s31 =	simm.s32 $0x1;
	[sflag:s26] =	ssyncadd.s32 $0xFFFFFF00  }
0x38: {  	[tilespmem:s23], [sflag:$0x2] =	stream.indirect.gather [hbm4b:s2+s17], $0x80, s16, s17, $0xb8;
	[tilespmem:$0x1E400] =	vst v63  }
.LBB2_3:
0x39: {  	s21 =	sand.u32 $0xC00, s29  }
0x3a: {  	s21 =	sshrl.u32 s21, $0x2  }
0x3b: {  	[tilespmem:s21], [sflag:$0x1] =	stream.linear.gather [hbm4b:s30+s4], $0x100, $0x38;
	[tilespmem:$0x1E400] =	vst v63  }
0x3c: {  	_ = 	snop  }
0x3d: {  	[spmem:s3] =	stream.indirect.scatter.add.f32 [tilespmem:s1], [sflag:$0x3], $0x80, s19, s17, $0xb8;
	[tilespmem:$0x1E400] =	vst v63  }
.LBB2_5:
0x3e: {  	s0 =	sxor.u32 $0x2, s0  }
0x3f: {  	s1 =	smul.u32 $0xA000, s0  }
0x40: {  	_ =	swait.ge [sflag:s26], $0x100  }
0x41: {  	[sflag:s26] =	ssyncset.done $0x0;
	s1 =	sshrl.u32 s1, $0x2  }
0x42: {  	s0 =	sshll.u32 s0, $0x8;
	[sflag:s26] =	ssyncadd.s32 $0xFFFFFF00;
	s1 =	sor.u32 $0x400, s1  }
0x43: {  	[tilespmem:s1], [sflag:$0x2] =	stream.indirect.gather [hbm4b:s2+s17], $0x80, s0, s17, $0xb8;
	[tilespmem:$0x1E400] =	vst v63  }
.LBB2_6:
0x44: {  	s29 =	sadd.s32 $0x400, s29  }
0x45: {  	p0 =	sne.s32 s29, $0x20000  }
.Ltmp3:
0x46: {  	_ = 	snop;
	(pc) =	sbr.rel @!p0 .LBB2_7-.Ltmp3, $2  }
0x47: {  	_ =	sdelay $0x2  }
0x48: {  	s31 =	sadd.s32 $0x1, s31;
	s30 =	sadd.s32 $0x20, s30  }
.LBB2_2:
0x49: {  	_ =	swait.ge [sflag:s20], $0x2800;
	p0 =	sgt.u32 s31, $0x79  }
.Ltmp4:
0x4a: {  	s0 =	sand.u32 $0x3, s31;
	[sflag:s20] =	ssyncset.done $0x0;
	(pc) =	sbr.rel @!p0 .LBB2_3-.Ltmp4, $4  }
0x4b: {  	s1 =	smul.u32 $0xA000, s0;
	[sflag:s20] =	ssyncadd.s32 $0xFFFFD800  }
0x4c: {  	_ =	swait.ge [sflag:s25], $0x2800  }
0x4d: {  	s19 =	sshll.u32 s0, $0x8;
	s1 =	sshrl.u32 s1, $0x2;
	[sflag:s25] =	ssyncset.done $0x0  }
0x4e: {  	s19 =	sor.u32 $0x80, s19;
	s1 =	sor.u32 $0x400, s1;
	[sflag:s25] =	ssyncadd.s32 $0xFFFFD800  }
0x4f: {  	p0 =	sne.s32 s29, $0x1F400  }
.Ltmp5:
0x50: {  	_ = 	snop;
	(pc) =	sbr.rel @p0 .LBB2_6-.Ltmp5, $4  }
.Ltmp6:
0x51: {  	_ = 	snop;
	(pc) =	sbr.rel @!p0 .LBB2_5-.Ltmp6, $4  }
0x52: {  	_ = 	snop  }
0x53: {  	_ = 	snop  }
0x54: {  	[spmem:s3] =	stream.indirect.scatter.add.f32 [tilespmem:s1], [sflag:$0x3], $0x80, s19, s17, $0xb8;
	[tilespmem:$0x1E400] =	vst v63  }
0x55: {  	_ = 	snop  }
.LBB2_8:
0x56: {  	_ =	sfence.sel $0x180000  }
0x57: {  	[bflag:$0x0] =	sbarrier.arrive $0xFFFF  }
0x58: {  	_ =	strace $0x9000004A  }
0x59: {  	s0 =	stileid.u32;
	[bflag:$0x2] =	sbarrier.arrive $0xFFFF  }
0x5a: {  	p0 =	sne.s32 s0, $0x0;
	s0 =	rddreg [dreg:$0x3]  }
0x5b: {  	s0 =	sadd.s32 @!p0 $0x100000, s0  }
0x5c: {  	[sflag:s0] =	ssyncadd.tile.s32 @!p0 $0x1;
	_ =	shalt  }
.Lfunc_end2:
_tile_overlayer_lowered:
.L_overlay_start_2:
0x5d: {  	(tag) =	ssettag $0x2  }
0x5e: {  	s0 =	rddreg [dreg:$0x0];
	s2 =	stileid.u32  }
0x5f: {  	s1 =	rddreg [dreg:$0x1];
	p0 =	sne.s32 s2, $0x0  }
0x60: {  	s3 =	rddreg [dreg:$0x2];
	[bflag:$0x3] =	sbarrier.arrive $0xFFFF;
	s2 =	simm.s32 @!p0 $0x1C04  }
0x61: {  	[timem:s3], [sflag:s2] =	dma.local @!p0 [hbm:s0], s1  }
0x62: {  	s0 =	simm.s32 @!p0 $0x4  }
0x63: {  	_ =	swait.ge @!p0 [sflag:s0], s1  }
0x64: {  	s1 =	ssub.s32 @!p0 $0x0, s1;
	[sflag:s0] =	ssyncset.done @!p0 $0x0  }
0x65: {  	[sflag:s0] =	ssyncadd.s32 @!p0 s1  }
0x66: {  	[bflag:$0x3] =	sbarrier.arrive $0xFFFF  }
0x67: {  	_ =	shalt  }

</sc_bundles>
